<compile_context>
chip_gen: v7x
topology: tpu7x:2x2x1
jax: 0.10.2.dev20260603
libtpu: 0.0.44.dev20260713+nightly
codegen_flags: <defaults>
</compile_context>

<pallas_src>
import functools

import jax
import jax.numpy as jnp
from jax import lax
from jax.experimental import pallas as pl
from jax.experimental.pallas import tpu as pltpu
from jax.experimental.pallas import tpu_sc as plsc

_F = 26
_V1 = 100001
_VP = 100352
_B = 16384
_NC, _NS, _L = 2, 16, 16
_NW = _NC * _NS
_BPW = _B // _NW
_CH = _BPW // _L

_mesh = plsc.VectorSubcoreMesh(core_axis_name="c", subcore_axis_name="s")


@functools.partial(
    pl.kernel,
    out_type=jax.ShapeDtypeStruct((_B,), jnp.float32),
    mesh=_mesh,
    scratch_types=[
        pltpu.VMEM((_F * _BPW,), jnp.int32),
        pltpu.VMEM((_F * _BPW,), jnp.float32),
        pltpu.VMEM((_BPW,), jnp.float32),
        pltpu.SemaphoreType.DMA,
        pltpu.SemaphoreType.DMA,
    ],
    compiler_params=pltpu.CompilerParams(use_tc_tiling_on_sc=False),
)
def _lookup_sum(idx_hbm, tab_hbm, out_hbm, idx_v, gath_v, out_v, sem, sem2):
    wid = lax.axis_index("s") * _NC + lax.axis_index("c")
    base = wid * _BPW

    stage = [
        pltpu.async_copy(
            idx_hbm.at[pl.ds(f * _B + base, _BPW)],
            idx_v.at[pl.ds(f * _BPW, _BPW)],
            sem2,
        )
        for f in range(_F)
    ]
    copies = []
    for f in range(_F):
        stage[f].wait()
        sl = pl.ds(f * _BPW, _BPW)
        copies.append(pltpu.async_copy(tab_hbm.at[idx_v.at[sl]], gath_v.at[sl], sem))
    for cp in copies:
        cp.wait()

    def _acc(c, carry):
        s = gath_v[pl.ds(c * _L, _L)]
        for f in range(1, _F):
            s = s + gath_v[pl.ds(f * _BPW + c * _L, _L)]
        out_v[pl.ds(c * _L, _L)] = s
        return carry

    lax.fori_loop(0, _CH, _acc, 0)

    pltpu.sync_copy(out_v, out_hbm.at[pl.ds(base, _BPW)])


def kernel(indices, tables):
    idx = indices.astype(jnp.int32)
    offs = (jnp.arange(_F, dtype=jnp.int32) * _VP)[:, None]
    tab = jnp.pad(tables, ((0, 0), (0, _VP - _V1), (0, 0))).reshape(_F * _VP)
    out = _lookup_sum((idx + offs).reshape(_F * _B), tab)
    return out[:, None]

# --- scband reference (transcript-rebuilt; emitter-appended) ---
"""Pipeline reference for scband-lr-23553600651284 (READ-ONLY COPY).

The authoritative reference and input builder live on the scoring server;
editing this copy changes nothing except your own understanding.
"""

import jax, jax.numpy as jnp
import numpy as np

F_FIELDS = 26
VOCAB = 100000
BATCH = 16384


def setup_inputs(seed: int = 0) -> dict:
    key = jax.random.key(seed)
    k_idx, k_tab = jax.random.split(key)
    # indices: one row per sparse field (the torch module receives these as a dict
    # {field_name: int64[B]}); values in [0, VOCAB) are valid for tables of VOCAB+1 rows.
    indices = jax.random.randint(k_idx, (F_FIELDS, BATCH), 0, VOCAB, dtype=jnp.int64)
    # Per-field embedding tables of shape [VOCAB+1, 1], stacked: [F, VOCAB+1, 1].
    # xavier_normal_ for fan_in=VOCAB+1, fan_out=1 -> std = sqrt(2/(fan_in+fan_out)).
    std = float(np.sqrt(2.0 / ((VOCAB + 1) + 1)))
    tables = jax.random.normal(k_tab, (F_FIELDS, VOCAB + 1, 1), dtype=jnp.float32) * std
    return {"indices": indices, "tables": tables}


def reference(indices, tables):
    # For each field f: emb_f = tables[f][indices[f]] -> [B, 1]
    # torch: cat over fields at dim=-2 -> [B, F, 1], then sum over dim=1 -> [B, 1]
    gathered = jnp.take_along_axis(tables[:, :, 0], indices, axis=1)  # [F, B]
    out = jnp.sum(gathered, axis=0)[:, None]  # [B, 1]
    return out

if __name__ == "__main__":
    import jax
    _d = setup_inputs()
    print(jax.jit(kernel)(*tuple(_d.values())))

</pallas_src>

<mosaic_0001>
#map = affine_map<(d0, d1) -> (0)>
module attributes {stable_mosaic.version = 14 : i64} {
  func.func @_lookup_sum(%arg0: i32, %arg1: i32, %arg2: memref<425984xi32, #tpu.memory_space<hbm>>, %arg3: memref<2609152xf32, #tpu.memory_space<hbm>>, %arg4: memref<16384xf32, #tpu.memory_space<hbm>>, %arg5: memref<13312xi32, #tpu.memory_space<vmem>>, %arg6: memref<13312xf32, #tpu.memory_space<vmem>>, %arg7: memref<512xf32, #tpu.memory_space<vmem>>, %arg8: memref<!tpu.dma_semaphore, #tpu.memory_space<semaphore_mem>>, %arg9: memref<!tpu.dma_semaphore, #tpu.memory_space<semaphore_mem>>) attributes {dimension_semantics = [#tpu.dimension_semantics<core_parallel>, #tpu.dimension_semantics<subcore_parallel>], iteration_bounds = array<i64: 2, 16>, scalar_prefetch = 0 : i64, scratch_operands = 5 : i64, tpu.core_type = #tpu.core_type<sc_vector_subcore>, window_params = [{transform_indices = #map}, {transform_indices = #map}, {transform_indices = #map}]} {
    %mul3A = arith.constant 2 : i32
    %mul3A_0 = arith.muli %arg1, %mul3A : i32
    %add3A = arith.addi %mul3A_0, %arg0 : i32
    %mul3A_1 = arith.constant 512 : i32
    %mul3A_2 = arith.muli %add3A, %mul3A_1 : i32
    %add3A_3 = arith.constant 0 : i32
    %add3A_4 = arith.addi %add3A_3, %mul3A_2 : i32
    %dma_start3A = arith.constant 0 : i32
    %dma_start3A_5 = tpu.memref_slice %arg5[%dma_start3A] : memref<13312xi32, #tpu.memory_space<vmem>> -> memref<512xi32, #tpu.memory_space<vmem>>
    %dma_start3A_6 = tpu.memref_slice %arg2[%add3A_4] : memref<425984xi32, #tpu.memory_space<hbm>> -> memref<512xi32, #tpu.memory_space<hbm>>
    %dma_start3A_7 = arith.constant 0 : i32
    %dma_start3A_8 = tpu.memref_slice %arg5[%dma_start3A_7] : memref<13312xi32, #tpu.memory_space<vmem>> -> memref<512xi32, #tpu.memory_space<vmem>>
    %dma_start3A_9 = tpu.memref_slice %arg2[%add3A_4] : memref<425984xi32, #tpu.memory_space<hbm>> -> memref<512xi32, #tpu.memory_space<hbm>>
    tpu.enqueue_dma source(%dma_start3A_9 : memref<512xi32, #tpu.memory_space<hbm>>) target(%dma_start3A_8 : memref<512xi32, #tpu.memory_space<vmem>>) target_semaphore(%arg9 : memref<!tpu.dma_semaphore, #tpu.memory_space<semaphore_mem>>)
    %add3A_10 = arith.constant 16384 : i32
    %add3A_11 = arith.addi %add3A_10, %mul3A_2 : i32
    %dma_start3A_12 = arith.constant 512 : i32
    %dma_start3A_13 = tpu.memref_slice %arg5[%dma_start3A_12] : memref<13312xi32, #tpu.memory_space<vmem>> -> memref<512xi32, #tpu.memory_space<vmem>>
    %dma_start3A_14 = tpu.memref_slice %arg2[%add3A_11] : memref<425984xi32, #tpu.memory_space<hbm>> -> memref<512xi32, #tpu.memory_space<hbm>>
    %dma_start3A_15 = arith.constant 512 : i32
    %dma_start3A_16 = tpu.memref_slice %arg5[%dma_start3A_15] : memref<13312xi32, #tpu.memory_space<vmem>> -> memref<512xi32, #tpu.memory_space<vmem>>
    %dma_start3A_17 = tpu.memref_slice %arg2[%add3A_11] : memref<425984xi32, #tpu.memory_space<hbm>> -> memref<512xi32, #tpu.memory_space<hbm>>
    tpu.enqueue_dma source(%dma_start3A_17 : memref<512xi32, #tpu.memory_space<hbm>>) target(%dma_start3A_16 : memref<512xi32, #tpu.memory_space<vmem>>) target_semaphore(%arg9 : memref<!tpu.dma_semaphore, #tpu.memory_space<semaphore_mem>>)
    %add3A_18 = arith.constant 32768 : i32
    %add3A_19 = arith.addi %add3A_18, %mul3A_2 : i32
    %dma_start3A_20 = arith.constant 1024 : i32
    %dma_start3A_21 = tpu.memref_slice %arg5[%dma_start3A_20] : memref<13312xi32, #tpu.memory_space<vmem>> -> memref<512xi32, #tpu.memory_space<vmem>>
    %dma_start3A_22 = tpu.memref_slice %arg2[%add3A_19] : memref<425984xi32, #tpu.memory_space<hbm>> -> memref<512xi32, #tpu.memory_space<hbm>>
    %dma_start3A_23 = arith.constant 1024 : i32
    %dma_start3A_24 = tpu.memref_slice %arg5[%dma_start3A_23] : memref<13312xi32, #tpu.memory_space<vmem>> -> memref<512xi32, #tpu.memory_space<vmem>>
    %dma_start3A_25 = tpu.memref_slice %arg2[%add3A_19] : memref<425984xi32, #tpu.memory_space<hbm>> -> memref<512xi32, #tpu.memory_space<hbm>>
    tpu.enqueue_dma source(%dma_start3A_25 : memref<512xi32, #tpu.memory_space<hbm>>) target(%dma_start3A_24 : memref<512xi32, #tpu.memory_space<vmem>>) target_semaphore(%arg9 : memref<!tpu.dma_semaphore, #tpu.memory_space<semaphore_mem>>)
    %add3A_26 = arith.constant 49152 : i32
    %add3A_27 = arith.addi %add3A_26, %mul3A_2 : i32
    %dma_start3A_28 = arith.constant 1536 : i32
    %dma_start3A_29 = tpu.memref_slice %arg5[%dma_start3A_28] : memref<13312xi32, #tpu.memory_space<vmem>> -> memref<512xi32, #tpu.memory_space<vmem>>
    %dma_start3A_30 = tpu.memref_slice %arg2[%add3A_27] : memref<425984xi32, #tpu.memory_space<hbm>> -> memref<512xi32, #tpu.memory_space<hbm>>
    %dma_start3A_31 = arith.constant 1536 : i32
    %dma_start3A_32 = tpu.memref_slice %arg5[%dma_start3A_31] : memref<13312xi32, #tpu.memory_space<vmem>> -> memref<512xi32, #tpu.memory_space<vmem>>
    %dma_start3A_33 = tpu.memref_slice %arg2[%add3A_27] : memref<425984xi32, #tpu.memory_space<hbm>> -> memref<512xi32, #tpu.memory_space<hbm>>
    tpu.enqueue_dma source(%dma_start3A_33 : memref<512xi32, #tpu.memory_space<hbm>>) target(%dma_start3A_32 : memref<512xi32, #tpu.memory_space<vmem>>) target_semaphore(%arg9 : memref<!tpu.dma_semaphore, #tpu.memory_space<semaphore_mem>>)
    %add3A_34 = arith.constant 65536 : i32
    %add3A_35 = arith.addi %add3A_34, %mul3A_2 : i32
    %dma_start3A_36 = arith.constant 2048 : i32
    %dma_start3A_37 = tpu.memref_slice %arg5[%dma_start3A_36] : memref<13312xi32, #tpu.memory_space<vmem>> -> memref<512xi32, #tpu.memory_space<vmem>>
    %dma_start3A_38 = tpu.memref_slice %arg2[%add3A_35] : memref<425984xi32, #tpu.memory_space<hbm>> -> memref<512xi32, #tpu.memory_space<hbm>>
    %dma_start3A_39 = arith.constant 2048 : i32
    %dma_start3A_40 = tpu.memref_slice %arg5[%dma_start3A_39] : memref<13312xi32, #tpu.memory_space<vmem>> -> memref<512xi32, #tpu.memory_space<vmem>>
    %dma_start3A_41 = tpu.memref_slice %arg2[%add3A_35] : memref<425984xi32, #tpu.memory_space<hbm>> -> memref<512xi32, #tpu.memory_space<hbm>>
    tpu.enqueue_dma source(%dma_start3A_41 : memref<512xi32, #tpu.memory_space<hbm>>) target(%dma_start3A_40 : memref<512xi32, #tpu.memory_space<vmem>>) target_semaphore(%arg9 : memref<!tpu.dma_semaphore, #tpu.memory_space<semaphore_mem>>)
    %add3A_42 = arith.constant 81920 : i32
    %add3A_43 = arith.addi %add3A_42, %mul3A_2 : i32
    %dma_start3A_44 = arith.constant 2560 : i32
    %dma_start3A_45 = tpu.memref_slice %arg5[%dma_start3A_44] : memref<13312xi32, #tpu.memory_space<vmem>> -> memref<512xi32, #tpu.memory_space<vmem>>
    %dma_start3A_46 = tpu.memref_slice %arg2[%add3A_43] : memref<425984xi32, #tpu.memory_space<hbm>> -> memref<512xi32, #tpu.memory_space<hbm>>
    %dma_start3A_47 = arith.constant 2560 : i32
    %dma_start3A_48 = tpu.memref_slice %arg5[%dma_start3A_47] : memref<13312xi32, #tpu.memory_space<vmem>> -> memref<512xi32, #tpu.memory_space<vmem>>
    %dma_start3A_49 = tpu.memref_slice %arg2[%add3A_43] : memref<425984xi32, #tpu.memory_space<hbm>> -> memref<512xi32, #tpu.memory_space<hbm>>
    tpu.enqueue_dma source(%dma_start3A_49 : memref<512xi32, #tpu.memory_space<hbm>>) target(%dma_start3A_48 : memref<512xi32, #tpu.memory_space<vmem>>) target_semaphore(%arg9 : memref<!tpu.dma_semaphore, #tpu.memory_space<semaphore_mem>>)
    %add3A_50 = arith.constant 98304 : i32
    %add3A_51 = arith.addi %add3A_50, %mul3A_2 : i32
    %dma_start3A_52 = arith.constant 3072 : i32
    %dma_start3A_53 = tpu.memref_slice %arg5[%dma_start3A_52] : memref<13312xi32, #tpu.memory_space<vmem>> -> memref<512xi32, #tpu.memory_space<vmem>>
    %dma_start3A_54 = tpu.memref_slice %arg2[%add3A_51] : memref<425984xi32, #tpu.memory_space<hbm>> -> memref<512xi32, #tpu.memory_space<hbm>>
    %dma_start3A_55 = arith.constant 3072 : i32
    %dma_start3A_56 = tpu.memref_slice %arg5[%dma_start3A_55] : memref<13312xi32, #tpu.memory_space<vmem>> -> memref<512xi32, #tpu.memory_space<vmem>>
    %dma_start3A_57 = tpu.memref_slice %arg2[%add3A_51] : memref<425984xi32, #tpu.memory_space<hbm>> -> memref<512xi32, #tpu.memory_space<hbm>>
    tpu.enqueue_dma source(%dma_start3A_57 : memref<512xi32, #tpu.memory_space<hbm>>) target(%dma_start3A_56 : memref<512xi32, #tpu.memory_space<vmem>>) target_semaphore(%arg9 : memref<!tpu.dma_semaphore, #tpu.memory_space<semaphore_mem>>)
    %add3A_58 = arith.constant 114688 : i32
    %add3A_59 = arith.addi %add3A_58, %mul3A_2 : i32
    %dma_start3A_60 = arith.constant 3584 : i32
    %dma_start3A_61 = tpu.memref_slice %arg5[%dma_start3A_60] : memref<13312xi32, #tpu.memory_space<vmem>> -> memref<512xi32, #tpu.memory_space<vmem>>
    %dma_start3A_62 = tpu.memref_slice %arg2[%add3A_59] : memref<425984xi32, #tpu.memory_space<hbm>> -> memref<512xi32, #tpu.memory_space<hbm>>
    %dma_start3A_63 = arith.constant 3584 : i32
    %dma_start3A_64 = tpu.memref_slice %arg5[%dma_start3A_63] : memref<13312xi32, #tpu.memory_space<vmem>> -> memref<512xi32, #tpu.memory_space<vmem>>
    %dma_start3A_65 = tpu.memref_slice %arg2[%add3A_59] : memref<425984xi32, #tpu.memory_space<hbm>> -> memref<512xi32, #tpu.memory_space<hbm>>
    tpu.enqueue_dma source(%dma_start3A_65 : memref<512xi32, #tpu.memory_space<hbm>>) target(%dma_start3A_64 : memref<512xi32, #tpu.memory_space<vmem>>) target_semaphore(%arg9 : memref<!tpu.dma_semaphore, #tpu.memory_space<semaphore_mem>>)
    %add3A_66 = arith.constant 131072 : i32
    %add3A_67 = arith.addi %add3A_66, %mul3A_2 : i32
    %dma_start3A_68 = arith.constant 4096 : i32
    %dma_start3A_69 = tpu.memref_slice %arg5[%dma_start3A_68] : memref<13312xi32, #tpu.memory_space<vmem>> -> memref<512xi32, #tpu.memory_space<vmem>>
    %dma_start3A_70 = tpu.memref_slice %arg2[%add3A_67] : memref<425984xi32, #tpu.memory_space<hbm>> -> memref<512xi32, #tpu.memory_space<hbm>>
    %dma_start3A_71 = arith.constant 4096 : i32
    %dma_start3A_72 = tpu.memref_slice %arg5[%dma_start3A_71] : memref<13312xi32, #tpu.memory_space<vmem>> -> memref<512xi32, #tpu.memory_space<vmem>>
    %dma_start3A_73 = tpu.memref_slice %arg2[%add3A_67] : memref<425984xi32, #tpu.memory_space<hbm>> -> memref<512xi32, #tpu.memory_space<hbm>>
    tpu.enqueue_dma source(%dma_start3A_73 : memref<512xi32, #tpu.memory_space<hbm>>) target(%dma_start3A_72 : memref<512xi32, #tpu.memory_space<vmem>>) target_semaphore(%arg9 : memref<!tpu.dma_semaphore, #tpu.memory_space<semaphore_mem>>)
    %add3A_74 = arith.constant 147456 : i32
    %add3A_75 = arith.addi %add3A_74, %mul3A_2 : i32
    %dma_start3A_76 = arith.constant 4608 : i32
    %dma_start3A_77 = tpu.memref_slice %arg5[%dma_start3A_76] : memref<13312xi32, #tpu.memory_space<vmem>> -> memref<512xi32, #tpu.memory_space<vmem>>
    %dma_start3A_78 = tpu.memref_slice %arg2[%add3A_75] : memref<425984xi32, #tpu.memory_space<hbm>> -> memref<512xi32, #tpu.memory_space<hbm>>
    %dma_start3A_79 = arith.constant 4608 : i32
    %dma_start3A_80 = tpu.memref_slice %arg5[%dma_start3A_79] : memref<13312xi32, #tpu.memory_space<vmem>> -> memref<512xi32, #tpu.memory_space<vmem>>
    %dma_start3A_81 = tpu.memref_slice %arg2[%add3A_75] : memref<425984xi32, #tpu.memory_space<hbm>> -> memref<512xi32, #tpu.memory_space<hbm>>
    tpu.enqueue_dma source(%dma_start3A_81 : memref<512xi32, #tpu.memory_space<hbm>>) target(%dma_start3A_80 : memref<512xi32, #tpu.memory_space<vmem>>) target_semaphore(%arg9 : memref<!tpu.dma_semaphore, #tpu.memory_space<semaphore_mem>>)
    %add3A_82 = arith.constant 163840 : i32
    %add3A_83 = arith.addi %add3A_82, %mul3A_2 : i32
    %dma_start3A_84 = arith.constant 5120 : i32
    %dma_start3A_85 = tpu.memref_slice %arg5[%dma_start3A_84] : memref<13312xi32, #tpu.memory_space<vmem>> -> memref<512xi32, #tpu.memory_space<vmem>>
    %dma_start3A_86 = tpu.memref_slice %arg2[%add3A_83] : memref<425984xi32, #tpu.memory_space<hbm>> -> memref<512xi32, #tpu.memory_space<hbm>>
    %dma_start3A_87 = arith.constant 5120 : i32
    %dma_start3A_88 = tpu.memref_slice %arg5[%dma_start3A_87] : memref<13312xi32, #tpu.memory_space<vmem>> -> memref<512xi32, #tpu.memory_space<vmem>>
    %dma_start3A_89 = tpu.memref_slice %arg2[%add3A_83] : memref<425984xi32, #tpu.memory_space<hbm>> -> memref<512xi32, #tpu.memory_space<hbm>>
    tpu.enqueue_dma source(%dma_start3A_89 : memref<512xi32, #tpu.memory_space<hbm>>) target(%dma_start3A_88 : memref<512xi32, #tpu.memory_space<vmem>>) target_semaphore(%arg9 : memref<!tpu.dma_semaphore, #tpu.memory_space<semaphore_mem>>)
    %add3A_90 = arith.constant 180224 : i32
    %add3A_91 = arith.addi %add3A_90, %mul3A_2 : i32
    %dma_start3A_92 = arith.constant 5632 : i32
    %dma_start3A_93 = tpu.memref_slice %arg5[%dma_start3A_92] : memref<13312xi32, #tpu.memory_space<vmem>> -> memref<512xi32, #tpu.memory_space<vmem>>
    %dma_start3A_94 = tpu.memref_slice %arg2[%add3A_91] : memref<425984xi32, #tpu.memory_space<hbm>> -> memref<512xi32, #tpu.memory_space<hbm>>
    %dma_start3A_95 = arith.constant 5632 : i32
    %dma_start3A_96 = tpu.memref_slice %arg5[%dma_start3A_95] : memref<13312xi32, #tpu.memory_space<vmem>> -> memref<512xi32, #tpu.memory_space<vmem>>
    %dma_start3A_97 = tpu.memref_slice %arg2[%add3A_91] : memref<425984xi32, #tpu.memory_space<hbm>> -> memref<512xi32, #tpu.memory_space<hbm>>
    tpu.enqueue_dma source(%dma_start3A_97 : memref<512xi32, #tpu.memory_space<hbm>>) target(%dma_start3A_96 : memref<512xi32, #tpu.memory_space<vmem>>) target_semaphore(%arg9 : memref<!tpu.dma_semaphore, #tpu.memory_space<semaphore_mem>>)
    %add3A_98 = arith.constant 196608 : i32
    %add3A_99 = arith.addi %add3A_98, %mul3A_2 : i32
    %dma_start3A_100 = arith.constant 6144 : i32
    %dma_start3A_101 = tpu.memref_slice %arg5[%dma_start3A_100] : memref<13312xi32, #tpu.memory_space<vmem>> -> memref<512xi32, #tpu.memory_space<vmem>>
    %dma_start3A_102 = tpu.memref_slice %arg2[%add3A_99] : memref<425984xi32, #tpu.memory_space<hbm>> -> memref<512xi32, #tpu.memory_space<hbm>>
    %dma_start3A_103 = arith.constant 6144 : i32
    %dma_start3A_104 = tpu.memref_slice %arg5[%dma_start3A_103] : memref<13312xi32, #tpu.memory_space<vmem>> -> memref<512xi32, #tpu.memory_space<vmem>>
    %dma_start3A_105 = tpu.memref_slice %arg2[%add3A_99] : memref<425984xi32, #tpu.memory_space<hbm>> -> memref<512xi32, #tpu.memory_space<hbm>>
    tpu.enqueue_dma source(%dma_start3A_105 : memref<512xi32, #tpu.memory_space<hbm>>) target(%dma_start3A_104 : memref<512xi32, #tpu.memory_space<vmem>>) target_semaphore(%arg9 : memref<!tpu.dma_semaphore, #tpu.memory_space<semaphore_mem>>)
    %add3A_106 = arith.constant 212992 : i32
    %add3A_107 = arith.addi %add3A_106, %mul3A_2 : i32
    %dma_start3A_108 = arith.constant 6656 : i32
    %dma_start3A_109 = tpu.memref_slice %arg5[%dma_start3A_108] : memref<13312xi32, #tpu.memory_space<vmem>> -> memref<512xi32, #tpu.memory_space<vmem>>
    %dma_start3A_110 = tpu.memref_slice %arg2[%add3A_107] : memref<425984xi32, #tpu.memory_space<hbm>> -> memref<512xi32, #tpu.memory_space<hbm>>
    %dma_start3A_111 = arith.constant 6656 : i32
    %dma_start3A_112 = tpu.memref_slice %arg5[%dma_start3A_111] : memref<13312xi32, #tpu.memory_space<vmem>> -> memref<512xi32, #tpu.memory_space<vmem>>
    %dma_start3A_113 = tpu.memref_slice %arg2[%add3A_107] : memref<425984xi32, #tpu.memory_space<hbm>> -> memref<512xi32, #tpu.memory_space<hbm>>
    tpu.enqueue_dma source(%dma_start3A_113 : memref<512xi32, #tpu.memory_space<hbm>>) target(%dma_start3A_112 : memref<512xi32, #tpu.memory_space<vmem>>) target_semaphore(%arg9 : memref<!tpu.dma_semaphore, #tpu.memory_space<semaphore_mem>>)
    %add3A_114 = arith.constant 229376 : i32
    %add3A_115 = arith.addi %add3A_114, %mul3A_2 : i32
    %dma_start3A_116 = arith.constant 7168 : i32
    %dma_start3A_117 = tpu.memref_slice %arg5[%dma_start3A_116] : memref<13312xi32, #tpu.memory_space<vmem>> -> memref<512xi32, #tpu.memory_space<vmem>>
    %dma_start3A_118 = tpu.memref_slice %arg2[%add3A_115] : memref<425984xi32, #tpu.memory_space<hbm>> -> memref<512xi32, #tpu.memory_space<hbm>>
    %dma_start3A_119 = arith.constant 7168 : i32
    %dma_start3A_120 = tpu.memref_slice %arg5[%dma_start3A_119] : memref<13312xi32, #tpu.memory_space<vmem>> -> memref<512xi32, #tpu.memory_space<vmem>>
    %dma_start3A_121 = tpu.memref_slice %arg2[%add3A_115] : memref<425984xi32, #tpu.memory_space<hbm>> -> memref<512xi32, #tpu.memory_space<hbm>>
    tpu.enqueue_dma source(%dma_start3A_121 : memref<512xi32, #tpu.memory_space<hbm>>) target(%dma_start3A_120 : memref<512xi32, #tpu.memory_space<vmem>>) target_semaphore(%arg9 : memref<!tpu.dma_semaphore, #tpu.memory_space<semaphore_mem>>)
    %add3A_122 = arith.constant 245760 : i32
    %add3A_123 = arith.addi %add3A_122, %mul3A_2 : i32
    %dma_start3A_124 = arith.constant 7680 : i32
    %dma_start3A_125 = tpu.memref_slice %arg5[%dma_start3A_124] : memref<13312xi32, #tpu.memory_space<vmem>> -> memref<512xi32, #tpu.memory_space<vmem>>
    %dma_start3A_126 = tpu.memref_slice %arg2[%add3A_123] : memref<425984xi32, #tpu.memory_space<hbm>> -> memref<512xi32, #tpu.memory_space<hbm>>
    %dma_start3A_127 = arith.constant 7680 : i32
    %dma_start3A_128 = tpu.memref_slice %arg5[%dma_start3A_127] : memref<13312xi32, #tpu.memory_space<vmem>> -> memref<512xi32, #tpu.memory_space<vmem>>
    %dma_start3A_129 = tpu.memref_slice %arg2[%add3A_123] : memref<425984xi32, #tpu.memory_space<hbm>> -> memref<512xi32, #tpu.memory_space<hbm>>
    tpu.enqueue_dma source(%dma_start3A_129 : memref<512xi32, #tpu.memory_space<hbm>>) target(%dma_start3A_128 : memref<512xi32, #tpu.memory_space<vmem>>) target_semaphore(%arg9 : memref<!tpu.dma_semaphore, #tpu.memory_space<semaphore_mem>>)
    %add3A_130 = arith.constant 262144 : i32
    %add3A_131 = arith.addi %add3A_130, %mul3A_2 : i32
    %dma_start3A_132 = arith.constant 8192 : i32
    %dma_start3A_133 = tpu.memref_slice %arg5[%dma_start3A_132] : memref<13312xi32, #tpu.memory_space<vmem>> -> memref<512xi32, #tpu.memory_space<vmem>>
    %dma_start3A_134 = tpu.memref_slice %arg2[%add3A_131] : memref<425984xi32, #tpu.memory_space<hbm>> -> memref<512xi32, #tpu.memory_space<hbm>>
    %dma_start3A_135 = arith.constant 8192 : i32
    %dma_start3A_136 = tpu.memref_slice %arg5[%dma_start3A_135] : memref<13312xi32, #tpu.memory_space<vmem>> -> memref<512xi32, #tpu.memory_space<vmem>>
    %dma_start3A_137 = tpu.memref_slice %arg2[%add3A_131] : memref<425984xi32, #tpu.memory_space<hbm>> -> memref<512xi32, #tpu.memory_space<hbm>>
    tpu.enqueue_dma source(%dma_start3A_137 : memref<512xi32, #tpu.memory_space<hbm>>) target(%dma_start3A_136 : memref<512xi32, #tpu.memory_space<vmem>>) target_semaphore(%arg9 : memref<!tpu.dma_semaphore, #tpu.memory_space<semaphore_mem>>)
    %add3A_138 = arith.constant 278528 : i32
    %add3A_139 = arith.addi %add3A_138, %mul3A_2 : i32
    %dma_start3A_140 = arith.constant 8704 : i32
    %dma_start3A_141 = tpu.memref_slice %arg5[%dma_start3A_140] : memref<13312xi32, #tpu.memory_space<vmem>> -> memref<512xi32, #tpu.memory_space<vmem>>
    %dma_start3A_142 = tpu.memref_slice %arg2[%add3A_139] : memref<425984xi32, #tpu.memory_space<hbm>> -> memref<512xi32, #tpu.memory_space<hbm>>
    %dma_start3A_143 = arith.constant 8704 : i32
    %dma_start3A_144 = tpu.memref_slice %arg5[%dma_start3A_143] : memref<13312xi32, #tpu.memory_space<vmem>> -> memref<512xi32, #tpu.memory_space<vmem>>
    %dma_start3A_145 = tpu.memref_slice %arg2[%add3A_139] : memref<425984xi32, #tpu.memory_space<hbm>> -> memref<512xi32, #tpu.memory_space<hbm>>
    tpu.enqueue_dma source(%dma_start3A_145 : memref<512xi32, #tpu.memory_space<hbm>>) target(%dma_start3A_144 : memref<512xi32, #tpu.memory_space<vmem>>) target_semaphore(%arg9 : memref<!tpu.dma_semaphore, #tpu.memory_space<semaphore_mem>>)
    %add3A_146 = arith.constant 294912 : i32
    %add3A_147 = arith.addi %add3A_146, %mul3A_2 : i32
    %dma_start3A_148 = arith.constant 9216 : i32
    %dma_start3A_149 = tpu.memref_slice %arg5[%dma_start3A_148] : memref<13312xi32, #tpu.memory_space<vmem>> -> memref<512xi32, #tpu.memory_space<vmem>>
    %dma_start3A_150 = tpu.memref_slice %arg2[%add3A_147] : memref<425984xi32, #tpu.memory_space<hbm>> -> memref<512xi32, #tpu.memory_space<hbm>>
    %dma_start3A_151 = arith.constant 9216 : i32
    %dma_start3A_152 = tpu.memref_slice %arg5[%dma_start3A_151] : memref<13312xi32, #tpu.memory_space<vmem>> -> memref<512xi32, #tpu.memory_space<vmem>>
    %dma_start3A_153 = tpu.memref_slice %arg2[%add3A_147] : memref<425984xi32, #tpu.memory_space<hbm>> -> memref<512xi32, #tpu.memory_space<hbm>>
    tpu.enqueue_dma source(%dma_start3A_153 : memref<512xi32, #tpu.memory_space<hbm>>) target(%dma_start3A_152 : memref<512xi32, #tpu.memory_space<vmem>>) target_semaphore(%arg9 : memref<!tpu.dma_semaphore, #tpu.memory_space<semaphore_mem>>)
    %add3A_154 = arith.constant 311296 : i32
    %add3A_155 = arith.addi %add3A_154, %mul3A_2 : i32
    %dma_start3A_156 = arith.constant 9728 : i32
    %dma_start3A_157 = tpu.memref_slice %arg5[%dma_start3A_156] : memref<13312xi32, #tpu.memory_space<vmem>> -> memref<512xi32, #tpu.memory_space<vmem>>
    %dma_start3A_158 = tpu.memref_slice %arg2[%add3A_155] : memref<425984xi32, #tpu.memory_space<hbm>> -> memref<512xi32, #tpu.memory_space<hbm>>
    %dma_start3A_159 = arith.constant 9728 : i32
    %dma_start3A_160 = tpu.memref_slice %arg5[%dma_start3A_159] : memref<13312xi32, #tpu.memory_space<vmem>> -> memref<512xi32, #tpu.memory_space<vmem>>
    %dma_start3A_161 = tpu.memref_slice %arg2[%add3A_155] : memref<425984xi32, #tpu.memory_space<hbm>> -> memref<512xi32, #tpu.memory_space<hbm>>
    tpu.enqueue_dma source(%dma_start3A_161 : memref<512xi32, #tpu.memory_space<hbm>>) target(%dma_start3A_160 : memref<512xi32, #tpu.memory_space<vmem>>) target_semaphore(%arg9 : memref<!tpu.dma_semaphore, #tpu.memory_space<semaphore_mem>>)
    %add3A_162 = arith.constant 327680 : i32
    %add3A_163 = arith.addi %add3A_162, %mul3A_2 : i32
    %dma_start3A_164 = arith.constant 10240 : i32
    %dma_start3A_165 = tpu.memref_slice %arg5[%dma_start3A_164] : memref<13312xi32, #tpu.memory_space<vmem>> -> memref<512xi32, #tpu.memory_space<vmem>>
    %dma_start3A_166 = tpu.memref_slice %arg2[%add3A_163] : memref<425984xi32, #tpu.memory_space<hbm>> -> memref<512xi32, #tpu.memory_space<hbm>>
    %dma_start3A_167 = arith.constant 10240 : i32
    %dma_start3A_168 = tpu.memref_slice %arg5[%dma_start3A_167] : memref<13312xi32, #tpu.memory_space<vmem>> -> memref<512xi32, #tpu.memory_space<vmem>>
    %dma_start3A_169 = tpu.memref_slice %arg2[%add3A_163] : memref<425984xi32, #tpu.memory_space<hbm>> -> memref<512xi32, #tpu.memory_space<hbm>>
    tpu.enqueue_dma source(%dma_start3A_169 : memref<512xi32, #tpu.memory_space<hbm>>) target(%dma_start3A_168 : memref<512xi32, #tpu.memory_space<vmem>>) target_semaphore(%arg9 : memref<!tpu.dma_semaphore, #tpu.memory_space<semaphore_mem>>)
    %add3A_170 = arith.constant 344064 : i32
    %add3A_171 = arith.addi %add3A_170, %mul3A_2 : i32
    %dma_start3A_172 = arith.constant 10752 : i32
    %dma_start3A_173 = tpu.memref_slice %arg5[%dma_start3A_172] : memref<13312xi32, #tpu.memory_space<vmem>> -> memref<512xi32, #tpu.memory_space<vmem>>
    %dma_start3A_174 = tpu.memref_slice %arg2[%add3A_171] : memref<425984xi32, #tpu.memory_space<hbm>> -> memref<512xi32, #tpu.memory_space<hbm>>
    %dma_start3A_175 = arith.constant 10752 : i32
    %dma_start3A_176 = tpu.memref_slice %arg5[%dma_start3A_175] : memref<13312xi32, #tpu.memory_space<vmem>> -> memref<512xi32, #tpu.memory_space<vmem>>
    %dma_start3A_177 = tpu.memref_slice %arg2[%add3A_171] : memref<425984xi32, #tpu.memory_space<hbm>> -> memref<512xi32, #tpu.memory_space<hbm>>
    tpu.enqueue_dma source(%dma_start3A_177 : memref<512xi32, #tpu.memory_space<hbm>>) target(%dma_start3A_176 : memref<512xi32, #tpu.memory_space<vmem>>) target_semaphore(%arg9 : memref<!tpu.dma_semaphore, #tpu.memory_space<semaphore_mem>>)
    %add3A_178 = arith.constant 360448 : i32
    %add3A_179 = arith.addi %add3A_178, %mul3A_2 : i32
    %dma_start3A_180 = arith.constant 11264 : i32
    %dma_start3A_181 = tpu.memref_slice %arg5[%dma_start3A_180] : memref<13312xi32, #tpu.memory_space<vmem>> -> memref<512xi32, #tpu.memory_space<vmem>>
    %dma_start3A_182 = tpu.memref_slice %arg2[%add3A_179] : memref<425984xi32, #tpu.memory_space<hbm>> -> memref<512xi32, #tpu.memory_space<hbm>>
    %dma_start3A_183 = arith.constant 11264 : i32
    %dma_start3A_184 = tpu.memref_slice %arg5[%dma_start3A_183] : memref<13312xi32, #tpu.memory_space<vmem>> -> memref<512xi32, #tpu.memory_space<vmem>>
    %dma_start3A_185 = tpu.memref_slice %arg2[%add3A_179] : memref<425984xi32, #tpu.memory_space<hbm>> -> memref<512xi32, #tpu.memory_space<hbm>>
    tpu.enqueue_dma source(%dma_start3A_185 : memref<512xi32, #tpu.memory_space<hbm>>) target(%dma_start3A_184 : memref<512xi32, #tpu.memory_space<vmem>>) target_semaphore(%arg9 : memref<!tpu.dma_semaphore, #tpu.memory_space<semaphore_mem>>)
    %add3A_186 = arith.constant 376832 : i32
    %add3A_187 = arith.addi %add3A_186, %mul3A_2 : i32
    %dma_start3A_188 = arith.constant 11776 : i32
    %dma_start3A_189 = tpu.memref_slice %arg5[%dma_start3A_188] : memref<13312xi32, #tpu.memory_space<vmem>> -> memref<512xi32, #tpu.memory_space<vmem>>
    %dma_start3A_190 = tpu.memref_slice %arg2[%add3A_187] : memref<425984xi32, #tpu.memory_space<hbm>> -> memref<512xi32, #tpu.memory_space<hbm>>
    %dma_start3A_191 = arith.constant 11776 : i32
    %dma_start3A_192 = tpu.memref_slice %arg5[%dma_start3A_191] : memref<13312xi32, #tpu.memory_space<vmem>> -> memref<512xi32, #tpu.memory_space<vmem>>
    %dma_start3A_193 = tpu.memref_slice %arg2[%add3A_187] : memref<425984xi32, #tpu.memory_space<hbm>> -> memref<512xi32, #tpu.memory_space<hbm>>
    tpu.enqueue_dma source(%dma_start3A_193 : memref<512xi32, #tpu.memory_space<hbm>>) target(%dma_start3A_192 : memref<512xi32, #tpu.memory_space<vmem>>) target_semaphore(%arg9 : memref<!tpu.dma_semaphore, #tpu.memory_space<semaphore_mem>>)
    %add3A_194 = arith.constant 393216 : i32
    %add3A_195 = arith.addi %add3A_194, %mul3A_2 : i32
    %dma_start3A_196 = arith.constant 12288 : i32
    %dma_start3A_197 = tpu.memref_slice %arg5[%dma_start3A_196] : memref<13312xi32, #tpu.memory_space<vmem>> -> memref<512xi32, #tpu.memory_space<vmem>>
    %dma_start3A_198 = tpu.memref_slice %arg2[%add3A_195] : memref<425984xi32, #tpu.memory_space<hbm>> -> memref<512xi32, #tpu.memory_space<hbm>>
    %dma_start3A_199 = arith.constant 12288 : i32
    %dma_start3A_200 = tpu.memref_slice %arg5[%dma_start3A_199] : memref<13312xi32, #tpu.memory_space<vmem>> -> memref<512xi32, #tpu.memory_space<vmem>>
    %dma_start3A_201 = tpu.memref_slice %arg2[%add3A_195] : memref<425984xi32, #tpu.memory_space<hbm>> -> memref<512xi32, #tpu.memory_space<hbm>>
    tpu.enqueue_dma source(%dma_start3A_201 : memref<512xi32, #tpu.memory_space<hbm>>) target(%dma_start3A_200 : memref<512xi32, #tpu.memory_space<vmem>>) target_semaphore(%arg9 : memref<!tpu.dma_semaphore, #tpu.memory_space<semaphore_mem>>)
    %add3A_202 = arith.constant 409600 : i32
    %add3A_203 = arith.addi %add3A_202, %mul3A_2 : i32
    %dma_start3A_204 = arith.constant 12800 : i32
    %dma_start3A_205 = tpu.memref_slice %arg5[%dma_start3A_204] : memref<13312xi32, #tpu.memory_space<vmem>> -> memref<512xi32, #tpu.memory_space<vmem>>
    %dma_start3A_206 = tpu.memref_slice %arg2[%add3A_203] : memref<425984xi32, #tpu.memory_space<hbm>> -> memref<512xi32, #tpu.memory_space<hbm>>
    %dma_start3A_207 = arith.constant 12800 : i32
    %dma_start3A_208 = tpu.memref_slice %arg5[%dma_start3A_207] : memref<13312xi32, #tpu.memory_space<vmem>> -> memref<512xi32, #tpu.memory_space<vmem>>
    %dma_start3A_209 = tpu.memref_slice %arg2[%add3A_203] : memref<425984xi32, #tpu.memory_space<hbm>> -> memref<512xi32, #tpu.memory_space<hbm>>
    tpu.enqueue_dma source(%dma_start3A_209 : memref<512xi32, #tpu.memory_space<hbm>>) target(%dma_start3A_208 : memref<512xi32, #tpu.memory_space<vmem>>) target_semaphore(%arg9 : memref<!tpu.dma_semaphore, #tpu.memory_space<semaphore_mem>>)
    %dma_wait3A = arith.constant 0 : i32
    %dma_wait3A_210 = tpu.memref_slice %arg5[%dma_wait3A] : memref<13312xi32, #tpu.memory_space<vmem>> -> memref<512xi32, #tpu.memory_space<vmem>>
    %dma_wait3A_211 = tpu.memref_slice %arg2[%add3A_4] : memref<425984xi32, #tpu.memory_space<hbm>> -> memref<512xi32, #tpu.memory_space<hbm>>
    %dma_wait3A_212 = arith.constant 0 : i32
    %dma_wait3A_213 = tpu.memref_slice %arg5[%dma_wait3A_212] : memref<13312xi32, #tpu.memory_space<vmem>> -> memref<512xi32, #tpu.memory_space<vmem>>
    %dma_wait3A_214 = tpu.memref_slice %arg2[%add3A_4] : memref<425984xi32, #tpu.memory_space<hbm>> -> memref<512xi32, #tpu.memory_space<hbm>>
    tpu.wait_dma2 semaphore(%arg9 : memref<!tpu.dma_semaphore, #tpu.memory_space<semaphore_mem>>) src(%dma_wait3A_214 : memref<512xi32, #tpu.memory_space<hbm>>) dst(%dma_wait3A_213 : memref<512xi32, #tpu.memory_space<vmem>>)
    %dma_start3A_215 = arith.constant 0 : i32
    %dma_start3A_216 = tpu.memref_slice %arg6[%dma_start3A_215] : memref<13312xf32, #tpu.memory_space<vmem>> -> memref<512xf32, #tpu.memory_space<vmem>>
    %dma_start3A_217 = arith.constant 0 : i32
    %dma_start3A_218 = tpu.memref_slice %arg5[%dma_start3A_217] : memref<13312xi32, #tpu.memory_space<vmem>> -> memref<512xi32, #tpu.memory_space<vmem>>
    %dma_start3A_219 = arith.constant 0 : i32
    %dma_start3A_220 = tpu.memref_slice %arg3[%dma_start3A_219] : memref<2609152xf32, #tpu.memory_space<hbm>> -> memref<2609152xf32, #tpu.memory_space<hbm>>
    tpu.enqueue_indirect_dma source(%dma_start3A_220 : memref<2609152xf32, #tpu.memory_space<hbm>>) target(%dma_start3A_216 : memref<512xf32, #tpu.memory_space<vmem>>) offsets(%dma_start3A_218 : memref<512xi32, #tpu.memory_space<vmem>>) semaphore(%arg8 : memref<!tpu.dma_semaphore, #tpu.memory_space<semaphore_mem>>)
    %dma_wait3A_221 = arith.constant 512 : i32
    %dma_wait3A_222 = tpu.memref_slice %arg5[%dma_wait3A_221] : memref<13312xi32, #tpu.memory_space<vmem>> -> memref<512xi32, #tpu.memory_space<vmem>>
    %dma_wait3A_223 = tpu.memref_slice %arg2[%add3A_11] : memref<425984xi32, #tpu.memory_space<hbm>> -> memref<512xi32, #tpu.memory_space<hbm>>
    %dma_wait3A_224 = arith.constant 512 : i32
    %dma_wait3A_225 = tpu.memref_slice %arg5[%dma_wait3A_224] : memref<13312xi32, #tpu.memory_space<vmem>> -> memref<512xi32, #tpu.memory_space<vmem>>
    %dma_wait3A_226 = tpu.memref_slice %arg2[%add3A_11] : memref<425984xi32, #tpu.memory_space<hbm>> -> memref<512xi32, #tpu.memory_space<hbm>>
    tpu.wait_dma2 semaphore(%arg9 : memref<!tpu.dma_semaphore, #tpu.memory_space<semaphore_mem>>) src(%dma_wait3A_226 : memref<512xi32, #tpu.memory_space<hbm>>) dst(%dma_wait3A_225 : memref<512xi32, #tpu.memory_space<vmem>>)
    %dma_start3A_227 = arith.constant 512 : i32
    %dma_start3A_228 = tpu.memref_slice %arg6[%dma_start3A_227] : memref<13312xf32, #tpu.memory_space<vmem>> -> memref<512xf32, #tpu.memory_space<vmem>>
    %dma_start3A_229 = arith.constant 512 : i32
    %dma_start3A_230 = tpu.memref_slice %arg5[%dma_start3A_229] : memref<13312xi32, #tpu.memory_space<vmem>> -> memref<512xi32, #tpu.memory_space<vmem>>
    %dma_start3A_231 = arith.constant 0 : i32
    %dma_start3A_232 = tpu.memref_slice %arg3[%dma_start3A_231] : memref<2609152xf32, #tpu.memory_space<hbm>> -> memref<2609152xf32, #tpu.memory_space<hbm>>
    tpu.enqueue_indirect_dma source(%dma_start3A_232 : memref<2609152xf32, #tpu.memory_space<hbm>>) target(%dma_start3A_228 : memref<512xf32, #tpu.memory_space<vmem>>) offsets(%dma_start3A_230 : memref<512xi32, #tpu.memory_space<vmem>>) semaphore(%arg8 : memref<!tpu.dma_semaphore, #tpu.memory_space<semaphore_mem>>)
    %dma_wait3A_233 = arith.constant 1024 : i32
    %dma_wait3A_234 = tpu.memref_slice %arg5[%dma_wait3A_233] : memref<13312xi32, #tpu.memory_space<vmem>> -> memref<512xi32, #tpu.memory_space<vmem>>
    %dma_wait3A_235 = tpu.memref_slice %arg2[%add3A_19] : memref<425984xi32, #tpu.memory_space<hbm>> -> memref<512xi32, #tpu.memory_space<hbm>>
    %dma_wait3A_236 = arith.constant 1024 : i32
    %dma_wait3A_237 = tpu.memref_slice %arg5[%dma_wait3A_236] : memref<13312xi32, #tpu.memory_space<vmem>> -> memref<512xi32, #tpu.memory_space<vmem>>
    %dma_wait3A_238 = tpu.memref_slice %arg2[%add3A_19] : memref<425984xi32, #tpu.memory_space<hbm>> -> memref<512xi32, #tpu.memory_space<hbm>>
    tpu.wait_dma2 semaphore(%arg9 : memref<!tpu.dma_semaphore, #tpu.memory_space<semaphore_mem>>) src(%dma_wait3A_238 : memref<512xi32, #tpu.memory_space<hbm>>) dst(%dma_wait3A_237 : memref<512xi32, #tpu.memory_space<vmem>>)
    %dma_start3A_239 = arith.constant 1024 : i32
    %dma_start3A_240 = tpu.memref_slice %arg6[%dma_start3A_239] : memref<13312xf32, #tpu.memory_space<vmem>> -> memref<512xf32, #tpu.memory_space<vmem>>
    %dma_start3A_241 = arith.constant 1024 : i32
    %dma_start3A_242 = tpu.memref_slice %arg5[%dma_start3A_241] : memref<13312xi32, #tpu.memory_space<vmem>> -> memref<512xi32, #tpu.memory_space<vmem>>
    %dma_start3A_243 = arith.constant 0 : i32
    %dma_start3A_244 = tpu.memref_slice %arg3[%dma_start3A_243] : memref<2609152xf32, #tpu.memory_space<hbm>> -> memref<2609152xf32, #tpu.memory_space<hbm>>
    tpu.enqueue_indirect_dma source(%dma_start3A_244 : memref<2609152xf32, #tpu.memory_space<hbm>>) target(%dma_start3A_240 : memref<512xf32, #tpu.memory_space<vmem>>) offsets(%dma_start3A_242 : memref<512xi32, #tpu.memory_space<vmem>>) semaphore(%arg8 : memref<!tpu.dma_semaphore, #tpu.memory_space<semaphore_mem>>)
    %dma_wait3A_245 = arith.constant 1536 : i32
    %dma_wait3A_246 = tpu.memref_slice %arg5[%dma_wait3A_245] : memref<13312xi32, #tpu.memory_space<vmem>> -> memref<512xi32, #tpu.memory_space<vmem>>
    %dma_wait3A_247 = tpu.memref_slice %arg2[%add3A_27] : memref<425984xi32, #tpu.memory_space<hbm>> -> memref<512xi32, #tpu.memory_space<hbm>>
    %dma_wait3A_248 = arith.constant 1536 : i32
    %dma_wait3A_249 = tpu.memref_slice %arg5[%dma_wait3A_248] : memref<13312xi32, #tpu.memory_space<vmem>> -> memref<512xi32, #tpu.memory_space<vmem>>
    %dma_wait3A_250 = tpu.memref_slice %arg2[%add3A_27] : memref<425984xi32, #tpu.memory_space<hbm>> -> memref<512xi32, #tpu.memory_space<hbm>>
    tpu.wait_dma2 semaphore(%arg9 : memref<!tpu.dma_semaphore, #tpu.memory_space<semaphore_mem>>) src(%dma_wait3A_250 : memref<512xi32, #tpu.memory_space<hbm>>) dst(%dma_wait3A_249 : memref<512xi32, #tpu.memory_space<vmem>>)
    %dma_start3A_251 = arith.constant 1536 : i32
    %dma_start3A_252 = tpu.memref_slice %arg6[%dma_start3A_251] : memref<13312xf32, #tpu.memory_space<vmem>> -> memref<512xf32, #tpu.memory_space<vmem>>
    %dma_start3A_253 = arith.constant 1536 : i32
    %dma_start3A_254 = tpu.memref_slice %arg5[%dma_start3A_253] : memref<13312xi32, #tpu.memory_space<vmem>> -> memref<512xi32, #tpu.memory_space<vmem>>
    %dma_start3A_255 = arith.constant 0 : i32
    %dma_start3A_256 = tpu.memref_slice %arg3[%dma_start3A_255] : memref<2609152xf32, #tpu.memory_space<hbm>> -> memref<2609152xf32, #tpu.memory_space<hbm>>
    tpu.enqueue_indirect_dma source(%dma_start3A_256 : memref<2609152xf32, #tpu.memory_space<hbm>>) target(%dma_start3A_252 : memref<512xf32, #tpu.memory_space<vmem>>) offsets(%dma_start3A_254 : memref<512xi32, #tpu.memory_space<vmem>>) semaphore(%arg8 : memref<!tpu.dma_semaphore, #tpu.memory_space<semaphore_mem>>)
    %dma_wait3A_257 = arith.constant 2048 : i32
    %dma_wait3A_258 = tpu.memref_slice %arg5[%dma_wait3A_257] : memref<13312xi32, #tpu.memory_space<vmem>> -> memref<512xi32, #tpu.memory_space<vmem>>
    %dma_wait3A_259 = tpu.memref_slice %arg2[%add3A_35] : memref<425984xi32, #tpu.memory_space<hbm>> -> memref<512xi32, #tpu.memory_space<hbm>>
    %dma_wait3A_260 = arith.constant 2048 : i32
    %dma_wait3A_261 = tpu.memref_slice %arg5[%dma_wait3A_260] : memref<13312xi32, #tpu.memory_space<vmem>> -> memref<512xi32, #tpu.memory_space<vmem>>
    %dma_wait3A_262 = tpu.memref_slice %arg2[%add3A_35] : memref<425984xi32, #tpu.memory_space<hbm>> -> memref<512xi32, #tpu.memory_space<hbm>>
    tpu.wait_dma2 semaphore(%arg9 : memref<!tpu.dma_semaphore, #tpu.memory_space<semaphore_mem>>) src(%dma_wait3A_262 : memref<512xi32, #tpu.memory_space<hbm>>) dst(%dma_wait3A_261 : memref<512xi32, #tpu.memory_space<vmem>>)
    %dma_start3A_263 = arith.constant 2048 : i32
    %dma_start3A_264 = tpu.memref_slice %arg6[%dma_start3A_263] : memref<13312xf32, #tpu.memory_space<vmem>> -> memref<512xf32, #tpu.memory_space<vmem>>
    %dma_start3A_265 = arith.constant 2048 : i32
    %dma_start3A_266 = tpu.memref_slice %arg5[%dma_start3A_265] : memref<13312xi32, #tpu.memory_space<vmem>> -> memref<512xi32, #tpu.memory_space<vmem>>
    %dma_start3A_267 = arith.constant 0 : i32
    %dma_start3A_268 = tpu.memref_slice %arg3[%dma_start3A_267] : memref<2609152xf32, #tpu.memory_space<hbm>> -> memref<2609152xf32, #tpu.memory_space<hbm>>
    tpu.enqueue_indirect_dma source(%dma_start3A_268 : memref<2609152xf32, #tpu.memory_space<hbm>>) target(%dma_start3A_264 : memref<512xf32, #tpu.memory_space<vmem>>) offsets(%dma_start3A_266 : memref<512xi32, #tpu.memory_space<vmem>>) semaphore(%arg8 : memref<!tpu.dma_semaphore, #tpu.memory_space<semaphore_mem>>)
    %dma_wait3A_269 = arith.constant 2560 : i32
    %dma_wait3A_270 = tpu.memref_slice %arg5[%dma_wait3A_269] : memref<13312xi32, #tpu.memory_space<vmem>> -> memref<512xi32, #tpu.memory_space<vmem>>
    %dma_wait3A_271 = tpu.memref_slice %arg2[%add3A_43] : memref<425984xi32, #tpu.memory_space<hbm>> -> memref<512xi32, #tpu.memory_space<hbm>>
    %dma_wait3A_272 = arith.constant 2560 : i32
    %dma_wait3A_273 = tpu.memref_slice %arg5[%dma_wait3A_272] : memref<13312xi32, #tpu.memory_space<vmem>> -> memref<512xi32, #tpu.memory_space<vmem>>
    %dma_wait3A_274 = tpu.memref_slice %arg2[%add3A_43] : memref<425984xi32, #tpu.memory_space<hbm>> -> memref<512xi32, #tpu.memory_space<hbm>>
    tpu.wait_dma2 semaphore(%arg9 : memref<!tpu.dma_semaphore, #tpu.memory_space<semaphore_mem>>) src(%dma_wait3A_274 : memref<512xi32, #tpu.memory_space<hbm>>) dst(%dma_wait3A_273 : memref<512xi32, #tpu.memory_space<vmem>>)
    %dma_start3A_275 = arith.constant 2560 : i32
    %dma_start3A_276 = tpu.memref_slice %arg6[%dma_start3A_275] : memref<13312xf32, #tpu.memory_space<vmem>> -> memref<512xf32, #tpu.memory_space<vmem>>
    %dma_start3A_277 = arith.constant 2560 : i32
    %dma_start3A_278 = tpu.memref_slice %arg5[%dma_start3A_277] : memref<13312xi32, #tpu.memory_space<vmem>> -> memref<512xi32, #tpu.memory_space<vmem>>
    %dma_start3A_279 = arith.constant 0 : i32
    %dma_start3A_280 = tpu.memref_slice %arg3[%dma_start3A_279] : memref<2609152xf32, #tpu.memory_space<hbm>> -> memref<2609152xf32, #tpu.memory_space<hbm>>
    tpu.enqueue_indirect_dma source(%dma_start3A_280 : memref<2609152xf32, #tpu.memory_space<hbm>>) target(%dma_start3A_276 : memref<512xf32, #tpu.memory_space<vmem>>) offsets(%dma_start3A_278 : memref<512xi32, #tpu.memory_space<vmem>>) semaphore(%arg8 : memref<!tpu.dma_semaphore, #tpu.memory_space<semaphore_mem>>)
    %dma_wait3A_281 = arith.constant 3072 : i32
    %dma_wait3A_282 = tpu.memref_slice %arg5[%dma_wait3A_281] : memref<13312xi32, #tpu.memory_space<vmem>> -> memref<512xi32, #tpu.memory_space<vmem>>
    %dma_wait3A_283 = tpu.memref_slice %arg2[%add3A_51] : memref<425984xi32, #tpu.memory_space<hbm>> -> memref<512xi32, #tpu.memory_space<hbm>>
    %dma_wait3A_284 = arith.constant 3072 : i32
    %dma_wait3A_285 = tpu.memref_slice %arg5[%dma_wait3A_284] : memref<13312xi32, #tpu.memory_space<vmem>> -> memref<512xi32, #tpu.memory_space<vmem>>
    %dma_wait3A_286 = tpu.memref_slice %arg2[%add3A_51] : memref<425984xi32, #tpu.memory_space<hbm>> -> memref<512xi32, #tpu.memory_space<hbm>>
    tpu.wait_dma2 semaphore(%arg9 : memref<!tpu.dma_semaphore, #tpu.memory_space<semaphore_mem>>) src(%dma_wait3A_286 : memref<512xi32, #tpu.memory_space<hbm>>) dst(%dma_wait3A_285 : memref<512xi32, #tpu.memory_space<vmem>>)
    %dma_start3A_287 = arith.constant 3072 : i32
    %dma_start3A_288 = tpu.memref_slice %arg6[%dma_start3A_287] : memref<13312xf32, #tpu.memory_space<vmem>> -> memref<512xf32, #tpu.memory_space<vmem>>
    %dma_start3A_289 = arith.constant 3072 : i32
    %dma_start3A_290 = tpu.memref_slice %arg5[%dma_start3A_289] : memref<13312xi32, #tpu.memory_space<vmem>> -> memref<512xi32, #tpu.memory_space<vmem>>
    %dma_start3A_291 = arith.constant 0 : i32
    %dma_start3A_292 = tpu.memref_slice %arg3[%dma_start3A_291] : memref<2609152xf32, #tpu.memory_space<hbm>> -> memref<2609152xf32, #tpu.memory_space<hbm>>
    tpu.enqueue_indirect_dma source(%dma_start3A_292 : memref<2609152xf32, #tpu.memory_space<hbm>>) target(%dma_start3A_288 : memref<512xf32, #tpu.memory_space<vmem>>) offsets(%dma_start3A_290 : memref<512xi32, #tpu.memory_space<vmem>>) semaphore(%arg8 : memref<!tpu.dma_semaphore, #tpu.memory_space<semaphore_mem>>)
    %dma_wait3A_293 = arith.constant 3584 : i32
    %dma_wait3A_294 = tpu.memref_slice %arg5[%dma_wait3A_293] : memref<13312xi32, #tpu.memory_space<vmem>> -> memref<512xi32, #tpu.memory_space<vmem>>
    %dma_wait3A_295 = tpu.memref_slice %arg2[%add3A_59] : memref<425984xi32, #tpu.memory_space<hbm>> -> memref<512xi32, #tpu.memory_space<hbm>>
    %dma_wait3A_296 = arith.constant 3584 : i32
    %dma_wait3A_297 = tpu.memref_slice %arg5[%dma_wait3A_296] : memref<13312xi32, #tpu.memory_space<vmem>> -> memref<512xi32, #tpu.memory_space<vmem>>
    %dma_wait3A_298 = tpu.memref_slice %arg2[%add3A_59] : memref<425984xi32, #tpu.memory_space<hbm>> -> memref<512xi32, #tpu.memory_space<hbm>>
    tpu.wait_dma2 semaphore(%arg9 : memref<!tpu.dma_semaphore, #tpu.memory_space<semaphore_mem>>) src(%dma_wait3A_298 : memref<512xi32, #tpu.memory_space<hbm>>) dst(%dma_wait3A_297 : memref<512xi32, #tpu.memory_space<vmem>>)
    %dma_start3A_299 = arith.constant 3584 : i32
    %dma_start3A_300 = tpu.memref_slice %arg6[%dma_start3A_299] : memref<13312xf32, #tpu.memory_space<vmem>> -> memref<512xf32, #tpu.memory_space<vmem>>
    %dma_start3A_301 = arith.constant 3584 : i32
    %dma_start3A_302 = tpu.memref_slice %arg5[%dma_start3A_301] : memref<13312xi32, #tpu.memory_space<vmem>> -> memref<512xi32, #tpu.memory_space<vmem>>
    %dma_start3A_303 = arith.constant 0 : i32
    %dma_start3A_304 = tpu.memref_slice %arg3[%dma_start3A_303] : memref<2609152xf32, #tpu.memory_space<hbm>> -> memref<2609152xf32, #tpu.memory_space<hbm>>
    tpu.enqueue_indirect_dma source(%dma_start3A_304 : memref<2609152xf32, #tpu.memory_space<hbm>>) target(%dma_start3A_300 : memref<512xf32, #tpu.memory_space<vmem>>) offsets(%dma_start3A_302 : memref<512xi32, #tpu.memory_space<vmem>>) semaphore(%arg8 : memref<!tpu.dma_semaphore, #tpu.memory_space<semaphore_mem>>)
    %dma_wait3A_305 = arith.constant 4096 : i32
    %dma_wait3A_306 = tpu.memref_slice %arg5[%dma_wait3A_305] : memref<13312xi32, #tpu.memory_space<vmem>> -> memref<512xi32, #tpu.memory_space<vmem>>
    %dma_wait3A_307 = tpu.memref_slice %arg2[%add3A_67] : memref<425984xi32, #tpu.memory_space<hbm>> -> memref<512xi32, #tpu.memory_space<hbm>>
    %dma_wait3A_308 = arith.constant 4096 : i32
    %dma_wait3A_309 = tpu.memref_slice %arg5[%dma_wait3A_308] : memref<13312xi32, #tpu.memory_space<vmem>> -> memref<512xi32, #tpu.memory_space<vmem>>
    %dma_wait3A_310 = tpu.memref_slice %arg2[%add3A_67] : memref<425984xi32, #tpu.memory_space<hbm>> -> memref<512xi32, #tpu.memory_space<hbm>>
    tpu.wait_dma2 semaphore(%arg9 : memref<!tpu.dma_semaphore, #tpu.memory_space<semaphore_mem>>) src(%dma_wait3A_310 : memref<512xi32, #tpu.memory_space<hbm>>) dst(%dma_wait3A_309 : memref<512xi32, #tpu.memory_space<vmem>>)
    %dma_start3A_311 = arith.constant 4096 : i32
    %dma_start3A_312 = tpu.memref_slice %arg6[%dma_start3A_311] : memref<13312xf32, #tpu.memory_space<vmem>> -> memref<512xf32, #tpu.memory_space<vmem>>
    %dma_start3A_313 = arith.constant 4096 : i32
    %dma_start3A_314 = tpu.memref_slice %arg5[%dma_start3A_313] : memref<13312xi32, #tpu.memory_space<vmem>> -> memref<512xi32, #tpu.memory_space<vmem>>
    %dma_start3A_315 = arith.constant 0 : i32
    %dma_start3A_316 = tpu.memref_slice %arg3[%dma_start3A_315] : memref<2609152xf32, #tpu.memory_space<hbm>> -> memref<2609152xf32, #tpu.memory_space<hbm>>
    tpu.enqueue_indirect_dma source(%dma_start3A_316 : memref<2609152xf32, #tpu.memory_space<hbm>>) target(%dma_start3A_312 : memref<512xf32, #tpu.memory_space<vmem>>) offsets(%dma_start3A_314 : memref<512xi32, #tpu.memory_space<vmem>>) semaphore(%arg8 : memref<!tpu.dma_semaphore, #tpu.memory_space<semaphore_mem>>)
    %dma_wait3A_317 = arith.constant 4608 : i32
    %dma_wait3A_318 = tpu.memref_slice %arg5[%dma_wait3A_317] : memref<13312xi32, #tpu.memory_space<vmem>> -> memref<512xi32, #tpu.memory_space<vmem>>
    %dma_wait3A_319 = tpu.memref_slice %arg2[%add3A_75] : memref<425984xi32, #tpu.memory_space<hbm>> -> memref<512xi32, #tpu.memory_space<hbm>>
    %dma_wait3A_320 = arith.constant 4608 : i32
    %dma_wait3A_321 = tpu.memref_slice %arg5[%dma_wait3A_320] : memref<13312xi32, #tpu.memory_space<vmem>> -> memref<512xi32, #tpu.memory_space<vmem>>
    %dma_wait3A_322 = tpu.memref_slice %arg2[%add3A_75] : memref<425984xi32, #tpu.memory_space<hbm>> -> memref<512xi32, #tpu.memory_space<hbm>>
    tpu.wait_dma2 semaphore(%arg9 : memref<!tpu.dma_semaphore, #tpu.memory_space<semaphore_mem>>) src(%dma_wait3A_322 : memref<512xi32, #tpu.memory_space<hbm>>) dst(%dma_wait3A_321 : memref<512xi32, #tpu.memory_space<vmem>>)
    %dma_start3A_323 = arith.constant 4608 : i32
    %dma_start3A_324 = tpu.memref_slice %arg6[%dma_start3A_323] : memref<13312xf32, #tpu.memory_space<vmem>> -> memref<512xf32, #tpu.memory_space<vmem>>
    %dma_start3A_325 = arith.constant 4608 : i32
    %dma_start3A_326 = tpu.memref_slice %arg5[%dma_start3A_325] : memref<13312xi32, #tpu.memory_space<vmem>> -> memref<512xi32, #tpu.memory_space<vmem>>
    %dma_start3A_327 = arith.constant 0 : i32
    %dma_start3A_328 = tpu.memref_slice %arg3[%dma_start3A_327] : memref<2609152xf32, #tpu.memory_space<hbm>> -> memref<2609152xf32, #tpu.memory_space<hbm>>
    tpu.enqueue_indirect_dma source(%dma_start3A_328 : memref<2609152xf32, #tpu.memory_space<hbm>>) target(%dma_start3A_324 : memref<512xf32, #tpu.memory_space<vmem>>) offsets(%dma_start3A_326 : memref<512xi32, #tpu.memory_space<vmem>>) semaphore(%arg8 : memref<!tpu.dma_semaphore, #tpu.memory_space<semaphore_mem>>)
    %dma_wait3A_329 = arith.constant 5120 : i32
    %dma_wait3A_330 = tpu.memref_slice %arg5[%dma_wait3A_329] : memref<13312xi32, #tpu.memory_space<vmem>> -> memref<512xi32, #tpu.memory_space<vmem>>
    %dma_wait3A_331 = tpu.memref_slice %arg2[%add3A_83] : memref<425984xi32, #tpu.memory_space<hbm>> -> memref<512xi32, #tpu.memory_space<hbm>>
    %dma_wait3A_332 = arith.constant 5120 : i32
    %dma_wait3A_333 = tpu.memref_slice %arg5[%dma_wait3A_332] : memref<13312xi32, #tpu.memory_space<vmem>> -> memref<512xi32, #tpu.memory_space<vmem>>
    %dma_wait3A_334 = tpu.memref_slice %arg2[%add3A_83] : memref<425984xi32, #tpu.memory_space<hbm>> -> memref<512xi32, #tpu.memory_space<hbm>>
    tpu.wait_dma2 semaphore(%arg9 : memref<!tpu.dma_semaphore, #tpu.memory_space<semaphore_mem>>) src(%dma_wait3A_334 : memref<512xi32, #tpu.memory_space<hbm>>) dst(%dma_wait3A_333 : memref<512xi32, #tpu.memory_space<vmem>>)
    %dma_start3A_335 = arith.constant 5120 : i32
    %dma_start3A_336 = tpu.memref_slice %arg6[%dma_start3A_335] : memref<13312xf32, #tpu.memory_space<vmem>> -> memref<512xf32, #tpu.memory_space<vmem>>
    %dma_start3A_337 = arith.constant 5120 : i32
    %dma_start3A_338 = tpu.memref_slice %arg5[%dma_start3A_337] : memref<13312xi32, #tpu.memory_space<vmem>> -> memref<512xi32, #tpu.memory_space<vmem>>
    %dma_start3A_339 = arith.constant 0 : i32
    %dma_start3A_340 = tpu.memref_slice %arg3[%dma_start3A_339] : memref<2609152xf32, #tpu.memory_space<hbm>> -> memref<2609152xf32, #tpu.memory_space<hbm>>
    tpu.enqueue_indirect_dma source(%dma_start3A_340 : memref<2609152xf32, #tpu.memory_space<hbm>>) target(%dma_start3A_336 : memref<512xf32, #tpu.memory_space<vmem>>) offsets(%dma_start3A_338 : memref<512xi32, #tpu.memory_space<vmem>>) semaphore(%arg8 : memref<!tpu.dma_semaphore, #tpu.memory_space<semaphore_mem>>)
    %dma_wait3A_341 = arith.constant 5632 : i32
    %dma_wait3A_342 = tpu.memref_slice %arg5[%dma_wait3A_341] : memref<13312xi32, #tpu.memory_space<vmem>> -> memref<512xi32, #tpu.memory_space<vmem>>
    %dma_wait3A_343 = tpu.memref_slice %arg2[%add3A_91] : memref<425984xi32, #tpu.memory_space<hbm>> -> memref<512xi32, #tpu.memory_space<hbm>>
    %dma_wait3A_344 = arith.constant 5632 : i32
    %dma_wait3A_345 = tpu.memref_slice %arg5[%dma_wait3A_344] : memref<13312xi32, #tpu.memory_space<vmem>> -> memref<512xi32, #tpu.memory_space<vmem>>
    %dma_wait3A_346 = tpu.memref_slice %arg2[%add3A_91] : memref<425984xi32, #tpu.memory_space<hbm>> -> memref<512xi32, #tpu.memory_space<hbm>>
    tpu.wait_dma2 semaphore(%arg9 : memref<!tpu.dma_semaphore, #tpu.memory_space<semaphore_mem>>) src(%dma_wait3A_346 : memref<512xi32, #tpu.memory_space<hbm>>) dst(%dma_wait3A_345 : memref<512xi32, #tpu.memory_space<vmem>>)
    %dma_start3A_347 = arith.constant 5632 : i32
    %dma_start3A_348 = tpu.memref_slice %arg6[%dma_start3A_347] : memref<13312xf32, #tpu.memory_space<vmem>> -> memref<512xf32, #tpu.memory_space<vmem>>
    %dma_start3A_349 = arith.constant 5632 : i32
    %dma_start3A_350 = tpu.memref_slice %arg5[%dma_start3A_349] : memref<13312xi32, #tpu.memory_space<vmem>> -> memref<512xi32, #tpu.memory_space<vmem>>
    %dma_start3A_351 = arith.constant 0 : i32
    %dma_start3A_352 = tpu.memref_slice %arg3[%dma_start3A_351] : memref<2609152xf32, #tpu.memory_space<hbm>> -> memref<2609152xf32, #tpu.memory_space<hbm>>
    tpu.enqueue_indirect_dma source(%dma_start3A_352 : memref<2609152xf32, #tpu.memory_space<hbm>>) target(%dma_start3A_348 : memref<512xf32, #tpu.memory_space<vmem>>) offsets(%dma_start3A_350 : memref<512xi32, #tpu.memory_space<vmem>>) semaphore(%arg8 : memref<!tpu.dma_semaphore, #tpu.memory_space<semaphore_mem>>)
    %dma_wait3A_353 = arith.constant 6144 : i32
    %dma_wait3A_354 = tpu.memref_slice %arg5[%dma_wait3A_353] : memref<13312xi32, #tpu.memory_space<vmem>> -> memref<512xi32, #tpu.memory_space<vmem>>
    %dma_wait3A_355 = tpu.memref_slice %arg2[%add3A_99] : memref<425984xi32, #tpu.memory_space<hbm>> -> memref<512xi32, #tpu.memory_space<hbm>>
    %dma_wait3A_356 = arith.constant 6144 : i32
    %dma_wait3A_357 = tpu.memref_slice %arg5[%dma_wait3A_356] : memref<13312xi32, #tpu.memory_space<vmem>> -> memref<512xi32, #tpu.memory_space<vmem>>
    %dma_wait3A_358 = tpu.memref_slice %arg2[%add3A_99] : memref<425984xi32, #tpu.memory_space<hbm>> -> memref<512xi32, #tpu.memory_space<hbm>>
    tpu.wait_dma2 semaphore(%arg9 : memref<!tpu.dma_semaphore, #tpu.memory_space<semaphore_mem>>) src(%dma_wait3A_358 : memref<512xi32, #tpu.memory_space<hbm>>) dst(%dma_wait3A_357 : memref<512xi32, #tpu.memory_space<vmem>>)
    %dma_start3A_359 = arith.constant 6144 : i32
    %dma_start3A_360 = tpu.memref_slice %arg6[%dma_start3A_359] : memref<13312xf32, #tpu.memory_space<vmem>> -> memref<512xf32, #tpu.memory_space<vmem>>
    %dma_start3A_361 = arith.constant 6144 : i32
    %dma_start3A_362 = tpu.memref_slice %arg5[%dma_start3A_361] : memref<13312xi32, #tpu.memory_space<vmem>> -> memref<512xi32, #tpu.memory_space<vmem>>
    %dma_start3A_363 = arith.constant 0 : i32
    %dma_start3A_364 = tpu.memref_slice %arg3[%dma_start3A_363] : memref<2609152xf32, #tpu.memory_space<hbm>> -> memref<2609152xf32, #tpu.memory_space<hbm>>
    tpu.enqueue_indirect_dma source(%dma_start3A_364 : memref<2609152xf32, #tpu.memory_space<hbm>>) target(%dma_start3A_360 : memref<512xf32, #tpu.memory_space<vmem>>) offsets(%dma_start3A_362 : memref<512xi32, #tpu.memory_space<vmem>>) semaphore(%arg8 : memref<!tpu.dma_semaphore, #tpu.memory_space<semaphore_mem>>)
    %dma_wait3A_365 = arith.constant 6656 : i32
    %dma_wait3A_366 = tpu.memref_slice %arg5[%dma_wait3A_365] : memref<13312xi32, #tpu.memory_space<vmem>> -> memref<512xi32, #tpu.memory_space<vmem>>
    %dma_wait3A_367 = tpu.memref_slice %arg2[%add3A_107] : memref<425984xi32, #tpu.memory_space<hbm>> -> memref<512xi32, #tpu.memory_space<hbm>>
    %dma_wait3A_368 = arith.constant 6656 : i32
    %dma_wait3A_369 = tpu.memref_slice %arg5[%dma_wait3A_368] : memref<13312xi32, #tpu.memory_space<vmem>> -> memref<512xi32, #tpu.memory_space<vmem>>
    %dma_wait3A_370 = tpu.memref_slice %arg2[%add3A_107] : memref<425984xi32, #tpu.memory_space<hbm>> -> memref<512xi32, #tpu.memory_space<hbm>>
    tpu.wait_dma2 semaphore(%arg9 : memref<!tpu.dma_semaphore, #tpu.memory_space<semaphore_mem>>) src(%dma_wait3A_370 : memref<512xi32, #tpu.memory_space<hbm>>) dst(%dma_wait3A_369 : memref<512xi32, #tpu.memory_space<vmem>>)
    %dma_start3A_371 = arith.constant 6656 : i32
    %dma_start3A_372 = tpu.memref_slice %arg6[%dma_start3A_371] : memref<13312xf32, #tpu.memory_space<vmem>> -> memref<512xf32, #tpu.memory_space<vmem>>
    %dma_start3A_373 = arith.constant 6656 : i32
    %dma_start3A_374 = tpu.memref_slice %arg5[%dma_start3A_373] : memref<13312xi32, #tpu.memory_space<vmem>> -> memref<512xi32, #tpu.memory_space<vmem>>
    %dma_start3A_375 = arith.constant 0 : i32
    %dma_start3A_376 = tpu.memref_slice %arg3[%dma_start3A_375] : memref<2609152xf32, #tpu.memory_space<hbm>> -> memref<2609152xf32, #tpu.memory_space<hbm>>
    tpu.enqueue_indirect_dma source(%dma_start3A_376 : memref<2609152xf32, #tpu.memory_space<hbm>>) target(%dma_start3A_372 : memref<512xf32, #tpu.memory_space<vmem>>) offsets(%dma_start3A_374 : memref<512xi32, #tpu.memory_space<vmem>>) semaphore(%arg8 : memref<!tpu.dma_semaphore, #tpu.memory_space<semaphore_mem>>)
    %dma_wait3A_377 = arith.constant 7168 : i32
    %dma_wait3A_378 = tpu.memref_slice %arg5[%dma_wait3A_377] : memref<13312xi32, #tpu.memory_space<vmem>> -> memref<512xi32, #tpu.memory_space<vmem>>
    %dma_wait3A_379 = tpu.memref_slice %arg2[%add3A_115] : memref<425984xi32, #tpu.memory_space<hbm>> -> memref<512xi32, #tpu.memory_space<hbm>>
    %dma_wait3A_380 = arith.constant 7168 : i32
    %dma_wait3A_381 = tpu.memref_slice %arg5[%dma_wait3A_380] : memref<13312xi32, #tpu.memory_space<vmem>> -> memref<512xi32, #tpu.memory_space<vmem>>
    %dma_wait3A_382 = tpu.memref_slice %arg2[%add3A_115] : memref<425984xi32, #tpu.memory_space<hbm>> -> memref<512xi32, #tpu.memory_space<hbm>>
    tpu.wait_dma2 semaphore(%arg9 : memref<!tpu.dma_semaphore, #tpu.memory_space<semaphore_mem>>) src(%dma_wait3A_382 : memref<512xi32, #tpu.memory_space<hbm>>) dst(%dma_wait3A_381 : memref<512xi32, #tpu.memory_space<vmem>>)
    %dma_start3A_383 = arith.constant 7168 : i32
    %dma_start3A_384 = tpu.memref_slice %arg6[%dma_start3A_383] : memref<13312xf32, #tpu.memory_space<vmem>> -> memref<512xf32, #tpu.memory_space<vmem>>
    %dma_start3A_385 = arith.constant 7168 : i32
    %dma_start3A_386 = tpu.memref_slice %arg5[%dma_start3A_385] : memref<13312xi32, #tpu.memory_space<vmem>> -> memref<512xi32, #tpu.memory_space<vmem>>
    %dma_start3A_387 = arith.constant 0 : i32
    %dma_start3A_388 = tpu.memref_slice %arg3[%dma_start3A_387] : memref<2609152xf32, #tpu.memory_space<hbm>> -> memref<2609152xf32, #tpu.memory_space<hbm>>
    tpu.enqueue_indirect_dma source(%dma_start3A_388 : memref<2609152xf32, #tpu.memory_space<hbm>>) target(%dma_start3A_384 : memref<512xf32, #tpu.memory_space<vmem>>) offsets(%dma_start3A_386 : memref<512xi32, #tpu.memory_space<vmem>>) semaphore(%arg8 : memref<!tpu.dma_semaphore, #tpu.memory_space<semaphore_mem>>)
    %dma_wait3A_389 = arith.constant 7680 : i32
    %dma_wait3A_390 = tpu.memref_slice %arg5[%dma_wait3A_389] : memref<13312xi32, #tpu.memory_space<vmem>> -> memref<512xi32, #tpu.memory_space<vmem>>
    %dma_wait3A_391 = tpu.memref_slice %arg2[%add3A_123] : memref<425984xi32, #tpu.memory_space<hbm>> -> memref<512xi32, #tpu.memory_space<hbm>>
    %dma_wait3A_392 = arith.constant 7680 : i32
    %dma_wait3A_393 = tpu.memref_slice %arg5[%dma_wait3A_392] : memref<13312xi32, #tpu.memory_space<vmem>> -> memref<512xi32, #tpu.memory_space<vmem>>
    %dma_wait3A_394 = tpu.memref_slice %arg2[%add3A_123] : memref<425984xi32, #tpu.memory_space<hbm>> -> memref<512xi32, #tpu.memory_space<hbm>>
    tpu.wait_dma2 semaphore(%arg9 : memref<!tpu.dma_semaphore, #tpu.memory_space<semaphore_mem>>) src(%dma_wait3A_394 : memref<512xi32, #tpu.memory_space<hbm>>) dst(%dma_wait3A_393 : memref<512xi32, #tpu.memory_space<vmem>>)
    %dma_start3A_395 = arith.constant 7680 : i32
    %dma_start3A_396 = tpu.memref_slice %arg6[%dma_start3A_395] : memref<13312xf32, #tpu.memory_space<vmem>> -> memref<512xf32, #tpu.memory_space<vmem>>
    %dma_start3A_397 = arith.constant 7680 : i32
    %dma_start3A_398 = tpu.memref_slice %arg5[%dma_start3A_397] : memref<13312xi32, #tpu.memory_space<vmem>> -> memref<512xi32, #tpu.memory_space<vmem>>
    %dma_start3A_399 = arith.constant 0 : i32
    %dma_start3A_400 = tpu.memref_slice %arg3[%dma_start3A_399] : memref<2609152xf32, #tpu.memory_space<hbm>> -> memref<2609152xf32, #tpu.memory_space<hbm>>
    tpu.enqueue_indirect_dma source(%dma_start3A_400 : memref<2609152xf32, #tpu.memory_space<hbm>>) target(%dma_start3A_396 : memref<512xf32, #tpu.memory_space<vmem>>) offsets(%dma_start3A_398 : memref<512xi32, #tpu.memory_space<vmem>>) semaphore(%arg8 : memref<!tpu.dma_semaphore, #tpu.memory_space<semaphore_mem>>)
    %dma_wait3A_401 = arith.constant 8192 : i32
    %dma_wait3A_402 = tpu.memref_slice %arg5[%dma_wait3A_401] : memref<13312xi32, #tpu.memory_space<vmem>> -> memref<512xi32, #tpu.memory_space<vmem>>
    %dma_wait3A_403 = tpu.memref_slice %arg2[%add3A_131] : memref<425984xi32, #tpu.memory_space<hbm>> -> memref<512xi32, #tpu.memory_space<hbm>>
    %dma_wait3A_404 = arith.constant 8192 : i32
    %dma_wait3A_405 = tpu.memref_slice %arg5[%dma_wait3A_404] : memref<13312xi32, #tpu.memory_space<vmem>> -> memref<512xi32, #tpu.memory_space<vmem>>
    %dma_wait3A_406 = tpu.memref_slice %arg2[%add3A_131] : memref<425984xi32, #tpu.memory_space<hbm>> -> memref<512xi32, #tpu.memory_space<hbm>>
    tpu.wait_dma2 semaphore(%arg9 : memref<!tpu.dma_semaphore, #tpu.memory_space<semaphore_mem>>) src(%dma_wait3A_406 : memref<512xi32, #tpu.memory_space<hbm>>) dst(%dma_wait3A_405 : memref<512xi32, #tpu.memory_space<vmem>>)
    %dma_start3A_407 = arith.constant 8192 : i32
    %dma_start3A_408 = tpu.memref_slice %arg6[%dma_start3A_407] : memref<13312xf32, #tpu.memory_space<vmem>> -> memref<512xf32, #tpu.memory_space<vmem>>
    %dma_start3A_409 = arith.constant 8192 : i32
    %dma_start3A_410 = tpu.memref_slice %arg5[%dma_start3A_409] : memref<13312xi32, #tpu.memory_space<vmem>> -> memref<512xi32, #tpu.memory_space<vmem>>
    %dma_start3A_411 = arith.constant 0 : i32
    %dma_start3A_412 = tpu.memref_slice %arg3[%dma_start3A_411] : memref<2609152xf32, #tpu.memory_space<hbm>> -> memref<2609152xf32, #tpu.memory_space<hbm>>
    tpu.enqueue_indirect_dma source(%dma_start3A_412 : memref<2609152xf32, #tpu.memory_space<hbm>>) target(%dma_start3A_408 : memref<512xf32, #tpu.memory_space<vmem>>) offsets(%dma_start3A_410 : memref<512xi32, #tpu.memory_space<vmem>>) semaphore(%arg8 : memref<!tpu.dma_semaphore, #tpu.memory_space<semaphore_mem>>)
    %dma_wait3A_413 = arith.constant 8704 : i32
    %dma_wait3A_414 = tpu.memref_slice %arg5[%dma_wait3A_413] : memref<13312xi32, #tpu.memory_space<vmem>> -> memref<512xi32, #tpu.memory_space<vmem>>
    %dma_wait3A_415 = tpu.memref_slice %arg2[%add3A_139] : memref<425984xi32, #tpu.memory_space<hbm>> -> memref<512xi32, #tpu.memory_space<hbm>>
    %dma_wait3A_416 = arith.constant 8704 : i32
    %dma_wait3A_417 = tpu.memref_slice %arg5[%dma_wait3A_416] : memref<13312xi32, #tpu.memory_space<vmem>> -> memref<512xi32, #tpu.memory_space<vmem>>
    %dma_wait3A_418 = tpu.memref_slice %arg2[%add3A_139] : memref<425984xi32, #tpu.memory_space<hbm>> -> memref<512xi32, #tpu.memory_space<hbm>>
    tpu.wait_dma2 semaphore(%arg9 : memref<!tpu.dma_semaphore, #tpu.memory_space<semaphore_mem>>) src(%dma_wait3A_418 : memref<512xi32, #tpu.memory_space<hbm>>) dst(%dma_wait3A_417 : memref<512xi32, #tpu.memory_space<vmem>>)
    %dma_start3A_419 = arith.constant 8704 : i32
    %dma_start3A_420 = tpu.memref_slice %arg6[%dma_start3A_419] : memref<13312xf32, #tpu.memory_space<vmem>> -> memref<512xf32, #tpu.memory_space<vmem>>
    %dma_start3A_421 = arith.constant 8704 : i32
    %dma_start3A_422 = tpu.memref_slice %arg5[%dma_start3A_421] : memref<13312xi32, #tpu.memory_space<vmem>> -> memref<512xi32, #tpu.memory_space<vmem>>
    %dma_start3A_423 = arith.constant 0 : i32
    %dma_start3A_424 = tpu.memref_slice %arg3[%dma_start3A_423] : memref<2609152xf32, #tpu.memory_space<hbm>> -> memref<2609152xf32, #tpu.memory_space<hbm>>
    tpu.enqueue_indirect_dma source(%dma_start3A_424 : memref<2609152xf32, #tpu.memory_space<hbm>>) target(%dma_start3A_420 : memref<512xf32, #tpu.memory_space<vmem>>) offsets(%dma_start3A_422 : memref<512xi32, #tpu.memory_space<vmem>>) semaphore(%arg8 : memref<!tpu.dma_semaphore, #tpu.memory_space<semaphore_mem>>)
    %dma_wait3A_425 = arith.constant 9216 : i32
    %dma_wait3A_426 = tpu.memref_slice %arg5[%dma_wait3A_425] : memref<13312xi32, #tpu.memory_space<vmem>> -> memref<512xi32, #tpu.memory_space<vmem>>
    %dma_wait3A_427 = tpu.memref_slice %arg2[%add3A_147] : memref<425984xi32, #tpu.memory_space<hbm>> -> memref<512xi32, #tpu.memory_space<hbm>>
    %dma_wait3A_428 = arith.constant 9216 : i32
    %dma_wait3A_429 = tpu.memref_slice %arg5[%dma_wait3A_428] : memref<13312xi32, #tpu.memory_space<vmem>> -> memref<512xi32, #tpu.memory_space<vmem>>
    %dma_wait3A_430 = tpu.memref_slice %arg2[%add3A_147] : memref<425984xi32, #tpu.memory_space<hbm>> -> memref<512xi32, #tpu.memory_space<hbm>>
    tpu.wait_dma2 semaphore(%arg9 : memref<!tpu.dma_semaphore, #tpu.memory_space<semaphore_mem>>) src(%dma_wait3A_430 : memref<512xi32, #tpu.memory_space<hbm>>) dst(%dma_wait3A_429 : memref<512xi32, #tpu.memory_space<vmem>>)
    %dma_start3A_431 = arith.constant 9216 : i32
    %dma_start3A_432 = tpu.memref_slice %arg6[%dma_start3A_431] : memref<13312xf32, #tpu.memory_space<vmem>> -> memref<512xf32, #tpu.memory_space<vmem>>
    %dma_start3A_433 = arith.constant 9216 : i32
    %dma_start3A_434 = tpu.memref_slice %arg5[%dma_start3A_433] : memref<13312xi32, #tpu.memory_space<vmem>> -> memref<512xi32, #tpu.memory_space<vmem>>
    %dma_start3A_435 = arith.constant 0 : i32
    %dma_start3A_436 = tpu.memref_slice %arg3[%dma_start3A_435] : memref<2609152xf32, #tpu.memory_space<hbm>> -> memref<2609152xf32, #tpu.memory_space<hbm>>
    tpu.enqueue_indirect_dma source(%dma_start3A_436 : memref<2609152xf32, #tpu.memory_space<hbm>>) target(%dma_start3A_432 : memref<512xf32, #tpu.memory_space<vmem>>) offsets(%dma_start3A_434 : memref<512xi32, #tpu.memory_space<vmem>>) semaphore(%arg8 : memref<!tpu.dma_semaphore, #tpu.memory_space<semaphore_mem>>)
    %dma_wait3A_437 = arith.constant 9728 : i32
    %dma_wait3A_438 = tpu.memref_slice %arg5[%dma_wait3A_437] : memref<13312xi32, #tpu.memory_space<vmem>> -> memref<512xi32, #tpu.memory_space<vmem>>
    %dma_wait3A_439 = tpu.memref_slice %arg2[%add3A_155] : memref<425984xi32, #tpu.memory_space<hbm>> -> memref<512xi32, #tpu.memory_space<hbm>>
    %dma_wait3A_440 = arith.constant 9728 : i32
    %dma_wait3A_441 = tpu.memref_slice %arg5[%dma_wait3A_440] : memref<13312xi32, #tpu.memory_space<vmem>> -> memref<512xi32, #tpu.memory_space<vmem>>
    %dma_wait3A_442 = tpu.memref_slice %arg2[%add3A_155] : memref<425984xi32, #tpu.memory_space<hbm>> -> memref<512xi32, #tpu.memory_space<hbm>>
    tpu.wait_dma2 semaphore(%arg9 : memref<!tpu.dma_semaphore, #tpu.memory_space<semaphore_mem>>) src(%dma_wait3A_442 : memref<512xi32, #tpu.memory_space<hbm>>) dst(%dma_wait3A_441 : memref<512xi32, #tpu.memory_space<vmem>>)
    %dma_start3A_443 = arith.constant 9728 : i32
    %dma_start3A_444 = tpu.memref_slice %arg6[%dma_start3A_443] : memref<13312xf32, #tpu.memory_space<vmem>> -> memref<512xf32, #tpu.memory_space<vmem>>
    %dma_start3A_445 = arith.constant 9728 : i32
    %dma_start3A_446 = tpu.memref_slice %arg5[%dma_start3A_445] : memref<13312xi32, #tpu.memory_space<vmem>> -> memref<512xi32, #tpu.memory_space<vmem>>
    %dma_start3A_447 = arith.constant 0 : i32
    %dma_start3A_448 = tpu.memref_slice %arg3[%dma_start3A_447] : memref<2609152xf32, #tpu.memory_space<hbm>> -> memref<2609152xf32, #tpu.memory_space<hbm>>
    tpu.enqueue_indirect_dma source(%dma_start3A_448 : memref<2609152xf32, #tpu.memory_space<hbm>>) target(%dma_start3A_444 : memref<512xf32, #tpu.memory_space<vmem>>) offsets(%dma_start3A_446 : memref<512xi32, #tpu.memory_space<vmem>>) semaphore(%arg8 : memref<!tpu.dma_semaphore, #tpu.memory_space<semaphore_mem>>)
    %dma_wait3A_449 = arith.constant 10240 : i32
    %dma_wait3A_450 = tpu.memref_slice %arg5[%dma_wait3A_449] : memref<13312xi32, #tpu.memory_space<vmem>> -> memref<512xi32, #tpu.memory_space<vmem>>
    %dma_wait3A_451 = tpu.memref_slice %arg2[%add3A_163] : memref<425984xi32, #tpu.memory_space<hbm>> -> memref<512xi32, #tpu.memory_space<hbm>>
    %dma_wait3A_452 = arith.constant 10240 : i32
    %dma_wait3A_453 = tpu.memref_slice %arg5[%dma_wait3A_452] : memref<13312xi32, #tpu.memory_space<vmem>> -> memref<512xi32, #tpu.memory_space<vmem>>
    %dma_wait3A_454 = tpu.memref_slice %arg2[%add3A_163] : memref<425984xi32, #tpu.memory_space<hbm>> -> memref<512xi32, #tpu.memory_space<hbm>>
    tpu.wait_dma2 semaphore(%arg9 : memref<!tpu.dma_semaphore, #tpu.memory_space<semaphore_mem>>) src(%dma_wait3A_454 : memref<512xi32, #tpu.memory_space<hbm>>) dst(%dma_wait3A_453 : memref<512xi32, #tpu.memory_space<vmem>>)
    %dma_start3A_455 = arith.constant 10240 : i32
    %dma_start3A_456 = tpu.memref_slice %arg6[%dma_start3A_455] : memref<13312xf32, #tpu.memory_space<vmem>> -> memref<512xf32, #tpu.memory_space<vmem>>
    %dma_start3A_457 = arith.constant 10240 : i32
    %dma_start3A_458 = tpu.memref_slice %arg5[%dma_start3A_457] : memref<13312xi32, #tpu.memory_space<vmem>> -> memref<512xi32, #tpu.memory_space<vmem>>
    %dma_start3A_459 = arith.constant 0 : i32
    %dma_start3A_460 = tpu.memref_slice %arg3[%dma_start3A_459] : memref<2609152xf32, #tpu.memory_space<hbm>> -> memref<2609152xf32, #tpu.memory_space<hbm>>
    tpu.enqueue_indirect_dma source(%dma_start3A_460 : memref<2609152xf32, #tpu.memory_space<hbm>>) target(%dma_start3A_456 : memref<512xf32, #tpu.memory_space<vmem>>) offsets(%dma_start3A_458 : memref<512xi32, #tpu.memory_space<vmem>>) semaphore(%arg8 : memref<!tpu.dma_semaphore, #tpu.memory_space<semaphore_mem>>)
    %dma_wait3A_461 = arith.constant 10752 : i32
    %dma_wait3A_462 = tpu.memref_slice %arg5[%dma_wait3A_461] : memref<13312xi32, #tpu.memory_space<vmem>> -> memref<512xi32, #tpu.memory_space<vmem>>
    %dma_wait3A_463 = tpu.memref_slice %arg2[%add3A_171] : memref<425984xi32, #tpu.memory_space<hbm>> -> memref<512xi32, #tpu.memory_space<hbm>>
    %dma_wait3A_464 = arith.constant 10752 : i32
    %dma_wait3A_465 = tpu.memref_slice %arg5[%dma_wait3A_464] : memref<13312xi32, #tpu.memory_space<vmem>> -> memref<512xi32, #tpu.memory_space<vmem>>
    %dma_wait3A_466 = tpu.memref_slice %arg2[%add3A_171] : memref<425984xi32, #tpu.memory_space<hbm>> -> memref<512xi32, #tpu.memory_space<hbm>>
    tpu.wait_dma2 semaphore(%arg9 : memref<!tpu.dma_semaphore, #tpu.memory_space<semaphore_mem>>) src(%dma_wait3A_466 : memref<512xi32, #tpu.memory_space<hbm>>) dst(%dma_wait3A_465 : memref<512xi32, #tpu.memory_space<vmem>>)
    %dma_start3A_467 = arith.constant 10752 : i32
    %dma_start3A_468 = tpu.memref_slice %arg6[%dma_start3A_467] : memref<13312xf32, #tpu.memory_space<vmem>> -> memref<512xf32, #tpu.memory_space<vmem>>
    %dma_start3A_469 = arith.constant 10752 : i32
    %dma_start3A_470 = tpu.memref_slice %arg5[%dma_start3A_469] : memref<13312xi32, #tpu.memory_space<vmem>> -> memref<512xi32, #tpu.memory_space<vmem>>
    %dma_start3A_471 = arith.constant 0 : i32
    %dma_start3A_472 = tpu.memref_slice %arg3[%dma_start3A_471] : memref<2609152xf32, #tpu.memory_space<hbm>> -> memref<2609152xf32, #tpu.memory_space<hbm>>
    tpu.enqueue_indirect_dma source(%dma_start3A_472 : memref<2609152xf32, #tpu.memory_space<hbm>>) target(%dma_start3A_468 : memref<512xf32, #tpu.memory_space<vmem>>) offsets(%dma_start3A_470 : memref<512xi32, #tpu.memory_space<vmem>>) semaphore(%arg8 : memref<!tpu.dma_semaphore, #tpu.memory_space<semaphore_mem>>)
    %dma_wait3A_473 = arith.constant 11264 : i32
    %dma_wait3A_474 = tpu.memref_slice %arg5[%dma_wait3A_473] : memref<13312xi32, #tpu.memory_space<vmem>> -> memref<512xi32, #tpu.memory_space<vmem>>
    %dma_wait3A_475 = tpu.memref_slice %arg2[%add3A_179] : memref<425984xi32, #tpu.memory_space<hbm>> -> memref<512xi32, #tpu.memory_space<hbm>>
    %dma_wait3A_476 = arith.constant 11264 : i32
    %dma_wait3A_477 = tpu.memref_slice %arg5[%dma_wait3A_476] : memref<13312xi32, #tpu.memory_space<vmem>> -> memref<512xi32, #tpu.memory_space<vmem>>
    %dma_wait3A_478 = tpu.memref_slice %arg2[%add3A_179] : memref<425984xi32, #tpu.memory_space<hbm>> -> memref<512xi32, #tpu.memory_space<hbm>>
    tpu.wait_dma2 semaphore(%arg9 : memref<!tpu.dma_semaphore, #tpu.memory_space<semaphore_mem>>) src(%dma_wait3A_478 : memref<512xi32, #tpu.memory_space<hbm>>) dst(%dma_wait3A_477 : memref<512xi32, #tpu.memory_space<vmem>>)
    %dma_start3A_479 = arith.constant 11264 : i32
    %dma_start3A_480 = tpu.memref_slice %arg6[%dma_start3A_479] : memref<13312xf32, #tpu.memory_space<vmem>> -> memref<512xf32, #tpu.memory_space<vmem>>
    %dma_start3A_481 = arith.constant 11264 : i32
    %dma_start3A_482 = tpu.memref_slice %arg5[%dma_start3A_481] : memref<13312xi32, #tpu.memory_space<vmem>> -> memref<512xi32, #tpu.memory_space<vmem>>
    %dma_start3A_483 = arith.constant 0 : i32
    %dma_start3A_484 = tpu.memref_slice %arg3[%dma_start3A_483] : memref<2609152xf32, #tpu.memory_space<hbm>> -> memref<2609152xf32, #tpu.memory_space<hbm>>
    tpu.enqueue_indirect_dma source(%dma_start3A_484 : memref<2609152xf32, #tpu.memory_space<hbm>>) target(%dma_start3A_480 : memref<512xf32, #tpu.memory_space<vmem>>) offsets(%dma_start3A_482 : memref<512xi32, #tpu.memory_space<vmem>>) semaphore(%arg8 : memref<!tpu.dma_semaphore, #tpu.memory_space<semaphore_mem>>)
    %dma_wait3A_485 = arith.constant 11776 : i32
    %dma_wait3A_486 = tpu.memref_slice %arg5[%dma_wait3A_485] : memref<13312xi32, #tpu.memory_space<vmem>> -> memref<512xi32, #tpu.memory_space<vmem>>
    %dma_wait3A_487 = tpu.memref_slice %arg2[%add3A_187] : memref<425984xi32, #tpu.memory_space<hbm>> -> memref<512xi32, #tpu.memory_space<hbm>>
    %dma_wait3A_488 = arith.constant 11776 : i32
    %dma_wait3A_489 = tpu.memref_slice %arg5[%dma_wait3A_488] : memref<13312xi32, #tpu.memory_space<vmem>> -> memref<512xi32, #tpu.memory_space<vmem>>
    %dma_wait3A_490 = tpu.memref_slice %arg2[%add3A_187] : memref<425984xi32, #tpu.memory_space<hbm>> -> memref<512xi32, #tpu.memory_space<hbm>>
    tpu.wait_dma2 semaphore(%arg9 : memref<!tpu.dma_semaphore, #tpu.memory_space<semaphore_mem>>) src(%dma_wait3A_490 : memref<512xi32, #tpu.memory_space<hbm>>) dst(%dma_wait3A_489 : memref<512xi32, #tpu.memory_space<vmem>>)
    %dma_start3A_491 = arith.constant 11776 : i32
    %dma_start3A_492 = tpu.memref_slice %arg6[%dma_start3A_491] : memref<13312xf32, #tpu.memory_space<vmem>> -> memref<512xf32, #tpu.memory_space<vmem>>
    %dma_start3A_493 = arith.constant 11776 : i32
    %dma_start3A_494 = tpu.memref_slice %arg5[%dma_start3A_493] : memref<13312xi32, #tpu.memory_space<vmem>> -> memref<512xi32, #tpu.memory_space<vmem>>
    %dma_start3A_495 = arith.constant 0 : i32
    %dma_start3A_496 = tpu.memref_slice %arg3[%dma_start3A_495] : memref<2609152xf32, #tpu.memory_space<hbm>> -> memref<2609152xf32, #tpu.memory_space<hbm>>
    tpu.enqueue_indirect_dma source(%dma_start3A_496 : memref<2609152xf32, #tpu.memory_space<hbm>>) target(%dma_start3A_492 : memref<512xf32, #tpu.memory_space<vmem>>) offsets(%dma_start3A_494 : memref<512xi32, #tpu.memory_space<vmem>>) semaphore(%arg8 : memref<!tpu.dma_semaphore, #tpu.memory_space<semaphore_mem>>)
    %dma_wait3A_497 = arith.constant 12288 : i32
    %dma_wait3A_498 = tpu.memref_slice %arg5[%dma_wait3A_497] : memref<13312xi32, #tpu.memory_space<vmem>> -> memref<512xi32, #tpu.memory_space<vmem>>
    %dma_wait3A_499 = tpu.memref_slice %arg2[%add3A_195] : memref<425984xi32, #tpu.memory_space<hbm>> -> memref<512xi32, #tpu.memory_space<hbm>>
    %dma_wait3A_500 = arith.constant 12288 : i32
    %dma_wait3A_501 = tpu.memref_slice %arg5[%dma_wait3A_500] : memref<13312xi32, #tpu.memory_space<vmem>> -> memref<512xi32, #tpu.memory_space<vmem>>
    %dma_wait3A_502 = tpu.memref_slice %arg2[%add3A_195] : memref<425984xi32, #tpu.memory_space<hbm>> -> memref<512xi32, #tpu.memory_space<hbm>>
    tpu.wait_dma2 semaphore(%arg9 : memref<!tpu.dma_semaphore, #tpu.memory_space<semaphore_mem>>) src(%dma_wait3A_502 : memref<512xi32, #tpu.memory_space<hbm>>) dst(%dma_wait3A_501 : memref<512xi32, #tpu.memory_space<vmem>>)
    %dma_start3A_503 = arith.constant 12288 : i32
    %dma_start3A_504 = tpu.memref_slice %arg6[%dma_start3A_503] : memref<13312xf32, #tpu.memory_space<vmem>> -> memref<512xf32, #tpu.memory_space<vmem>>
    %dma_start3A_505 = arith.constant 12288 : i32
    %dma_start3A_506 = tpu.memref_slice %arg5[%dma_start3A_505] : memref<13312xi32, #tpu.memory_space<vmem>> -> memref<512xi32, #tpu.memory_space<vmem>>
    %dma_start3A_507 = arith.constant 0 : i32
    %dma_start3A_508 = tpu.memref_slice %arg3[%dma_start3A_507] : memref<2609152xf32, #tpu.memory_space<hbm>> -> memref<2609152xf32, #tpu.memory_space<hbm>>
    tpu.enqueue_indirect_dma source(%dma_start3A_508 : memref<2609152xf32, #tpu.memory_space<hbm>>) target(%dma_start3A_504 : memref<512xf32, #tpu.memory_space<vmem>>) offsets(%dma_start3A_506 : memref<512xi32, #tpu.memory_space<vmem>>) semaphore(%arg8 : memref<!tpu.dma_semaphore, #tpu.memory_space<semaphore_mem>>)
    %dma_wait3A_509 = arith.constant 12800 : i32
    %dma_wait3A_510 = tpu.memref_slice %arg5[%dma_wait3A_509] : memref<13312xi32, #tpu.memory_space<vmem>> -> memref<512xi32, #tpu.memory_space<vmem>>
    %dma_wait3A_511 = tpu.memref_slice %arg2[%add3A_203] : memref<425984xi32, #tpu.memory_space<hbm>> -> memref<512xi32, #tpu.memory_space<hbm>>
    %dma_wait3A_512 = arith.constant 12800 : i32
    %dma_wait3A_513 = tpu.memref_slice %arg5[%dma_wait3A_512] : memref<13312xi32, #tpu.memory_space<vmem>> -> memref<512xi32, #tpu.memory_space<vmem>>
    %dma_wait3A_514 = tpu.memref_slice %arg2[%add3A_203] : memref<425984xi32, #tpu.memory_space<hbm>> -> memref<512xi32, #tpu.memory_space<hbm>>
    tpu.wait_dma2 semaphore(%arg9 : memref<!tpu.dma_semaphore, #tpu.memory_space<semaphore_mem>>) src(%dma_wait3A_514 : memref<512xi32, #tpu.memory_space<hbm>>) dst(%dma_wait3A_513 : memref<512xi32, #tpu.memory_space<vmem>>)
    %dma_start3A_515 = arith.constant 12800 : i32
    %dma_start3A_516 = tpu.memref_slice %arg6[%dma_start3A_515] : memref<13312xf32, #tpu.memory_space<vmem>> -> memref<512xf32, #tpu.memory_space<vmem>>
    %dma_start3A_517 = arith.constant 12800 : i32
    %dma_start3A_518 = tpu.memref_slice %arg5[%dma_start3A_517] : memref<13312xi32, #tpu.memory_space<vmem>> -> memref<512xi32, #tpu.memory_space<vmem>>
    %dma_start3A_519 = arith.constant 0 : i32
    %dma_start3A_520 = tpu.memref_slice %arg3[%dma_start3A_519] : memref<2609152xf32, #tpu.memory_space<hbm>> -> memref<2609152xf32, #tpu.memory_space<hbm>>
    tpu.enqueue_indirect_dma source(%dma_start3A_520 : memref<2609152xf32, #tpu.memory_space<hbm>>) target(%dma_start3A_516 : memref<512xf32, #tpu.memory_space<vmem>>) offsets(%dma_start3A_518 : memref<512xi32, #tpu.memory_space<vmem>>) semaphore(%arg8 : memref<!tpu.dma_semaphore, #tpu.memory_space<semaphore_mem>>)
    %dma_wait3A_521 = arith.constant 0 : i32
    %dma_wait3A_522 = tpu.memref_slice %arg6[%dma_wait3A_521] : memref<13312xf32, #tpu.memory_space<vmem>> -> memref<512xf32, #tpu.memory_space<vmem>>
    %dma_wait3A_523 = arith.constant 0 : i32
    %dma_wait3A_524 = tpu.memref_slice %arg5[%dma_wait3A_523] : memref<13312xi32, #tpu.memory_space<vmem>> -> memref<512xi32, #tpu.memory_space<vmem>>
    %dma_wait3A_525 = arith.constant 0 : i32
    %dma_wait3A_526 = tpu.memref_slice %arg3[%dma_wait3A_525] : memref<2609152xf32, #tpu.memory_space<hbm>> -> memref<2609152xf32, #tpu.memory_space<hbm>>
    tpu.wait_indirect_dma semaphore(%arg8 : memref<!tpu.dma_semaphore, #tpu.memory_space<semaphore_mem>>) src(%dma_wait3A_526 : memref<2609152xf32, #tpu.memory_space<hbm>>) dst(%dma_wait3A_522 : memref<512xf32, #tpu.memory_space<vmem>>)
    %dma_wait3A_527 = arith.constant 512 : i32
    %dma_wait3A_528 = tpu.memref_slice %arg6[%dma_wait3A_527] : memref<13312xf32, #tpu.memory_space<vmem>> -> memref<512xf32, #tpu.memory_space<vmem>>
    %dma_wait3A_529 = arith.constant 512 : i32
    %dma_wait3A_530 = tpu.memref_slice %arg5[%dma_wait3A_529] : memref<13312xi32, #tpu.memory_space<vmem>> -> memref<512xi32, #tpu.memory_space<vmem>>
    %dma_wait3A_531 = arith.constant 0 : i32
    %dma_wait3A_532 = tpu.memref_slice %arg3[%dma_wait3A_531] : memref<2609152xf32, #tpu.memory_space<hbm>> -> memref<2609152xf32, #tpu.memory_space<hbm>>
    tpu.wait_indirect_dma semaphore(%arg8 : memref<!tpu.dma_semaphore, #tpu.memory_space<semaphore_mem>>) src(%dma_wait3A_532 : memref<2609152xf32, #tpu.memory_space<hbm>>) dst(%dma_wait3A_528 : memref<512xf32, #tpu.memory_space<vmem>>)
    %dma_wait3A_533 = arith.constant 1024 : i32
    %dma_wait3A_534 = tpu.memref_slice %arg6[%dma_wait3A_533] : memref<13312xf32, #tpu.memory_space<vmem>> -> memref<512xf32, #tpu.memory_space<vmem>>
    %dma_wait3A_535 = arith.constant 1024 : i32
    %dma_wait3A_536 = tpu.memref_slice %arg5[%dma_wait3A_535] : memref<13312xi32, #tpu.memory_space<vmem>> -> memref<512xi32, #tpu.memory_space<vmem>>
    %dma_wait3A_537 = arith.constant 0 : i32
    %dma_wait3A_538 = tpu.memref_slice %arg3[%dma_wait3A_537] : memref<2609152xf32, #tpu.memory_space<hbm>> -> memref<2609152xf32, #tpu.memory_space<hbm>>
    tpu.wait_indirect_dma semaphore(%arg8 : memref<!tpu.dma_semaphore, #tpu.memory_space<semaphore_mem>>) src(%dma_wait3A_538 : memref<2609152xf32, #tpu.memory_space<hbm>>) dst(%dma_wait3A_534 : memref<512xf32, #tpu.memory_space<vmem>>)
    %dma_wait3A_539 = arith.constant 1536 : i32
    %dma_wait3A_540 = tpu.memref_slice %arg6[%dma_wait3A_539] : memref<13312xf32, #tpu.memory_space<vmem>> -> memref<512xf32, #tpu.memory_space<vmem>>
    %dma_wait3A_541 = arith.constant 1536 : i32
    %dma_wait3A_542 = tpu.memref_slice %arg5[%dma_wait3A_541] : memref<13312xi32, #tpu.memory_space<vmem>> -> memref<512xi32, #tpu.memory_space<vmem>>
    %dma_wait3A_543 = arith.constant 0 : i32
    %dma_wait3A_544 = tpu.memref_slice %arg3[%dma_wait3A_543] : memref<2609152xf32, #tpu.memory_space<hbm>> -> memref<2609152xf32, #tpu.memory_space<hbm>>
    tpu.wait_indirect_dma semaphore(%arg8 : memref<!tpu.dma_semaphore, #tpu.memory_space<semaphore_mem>>) src(%dma_wait3A_544 : memref<2609152xf32, #tpu.memory_space<hbm>>) dst(%dma_wait3A_540 : memref<512xf32, #tpu.memory_space<vmem>>)
    %dma_wait3A_545 = arith.constant 2048 : i32
    %dma_wait3A_546 = tpu.memref_slice %arg6[%dma_wait3A_545] : memref<13312xf32, #tpu.memory_space<vmem>> -> memref<512xf32, #tpu.memory_space<vmem>>
    %dma_wait3A_547 = arith.constant 2048 : i32
    %dma_wait3A_548 = tpu.memref_slice %arg5[%dma_wait3A_547] : memref<13312xi32, #tpu.memory_space<vmem>> -> memref<512xi32, #tpu.memory_space<vmem>>
    %dma_wait3A_549 = arith.constant 0 : i32
    %dma_wait3A_550 = tpu.memref_slice %arg3[%dma_wait3A_549] : memref<2609152xf32, #tpu.memory_space<hbm>> -> memref<2609152xf32, #tpu.memory_space<hbm>>
    tpu.wait_indirect_dma semaphore(%arg8 : memref<!tpu.dma_semaphore, #tpu.memory_space<semaphore_mem>>) src(%dma_wait3A_550 : memref<2609152xf32, #tpu.memory_space<hbm>>) dst(%dma_wait3A_546 : memref<512xf32, #tpu.memory_space<vmem>>)
    %dma_wait3A_551 = arith.constant 2560 : i32
    %dma_wait3A_552 = tpu.memref_slice %arg6[%dma_wait3A_551] : memref<13312xf32, #tpu.memory_space<vmem>> -> memref<512xf32, #tpu.memory_space<vmem>>
    %dma_wait3A_553 = arith.constant 2560 : i32
    %dma_wait3A_554 = tpu.memref_slice %arg5[%dma_wait3A_553] : memref<13312xi32, #tpu.memory_space<vmem>> -> memref<512xi32, #tpu.memory_space<vmem>>
    %dma_wait3A_555 = arith.constant 0 : i32
    %dma_wait3A_556 = tpu.memref_slice %arg3[%dma_wait3A_555] : memref<2609152xf32, #tpu.memory_space<hbm>> -> memref<2609152xf32, #tpu.memory_space<hbm>>
    tpu.wait_indirect_dma semaphore(%arg8 : memref<!tpu.dma_semaphore, #tpu.memory_space<semaphore_mem>>) src(%dma_wait3A_556 : memref<2609152xf32, #tpu.memory_space<hbm>>) dst(%dma_wait3A_552 : memref<512xf32, #tpu.memory_space<vmem>>)
    %dma_wait3A_557 = arith.constant 3072 : i32
    %dma_wait3A_558 = tpu.memref_slice %arg6[%dma_wait3A_557] : memref<13312xf32, #tpu.memory_space<vmem>> -> memref<512xf32, #tpu.memory_space<vmem>>
    %dma_wait3A_559 = arith.constant 3072 : i32
    %dma_wait3A_560 = tpu.memref_slice %arg5[%dma_wait3A_559] : memref<13312xi32, #tpu.memory_space<vmem>> -> memref<512xi32, #tpu.memory_space<vmem>>
    %dma_wait3A_561 = arith.constant 0 : i32
    %dma_wait3A_562 = tpu.memref_slice %arg3[%dma_wait3A_561] : memref<2609152xf32, #tpu.memory_space<hbm>> -> memref<2609152xf32, #tpu.memory_space<hbm>>
    tpu.wait_indirect_dma semaphore(%arg8 : memref<!tpu.dma_semaphore, #tpu.memory_space<semaphore_mem>>) src(%dma_wait3A_562 : memref<2609152xf32, #tpu.memory_space<hbm>>) dst(%dma_wait3A_558 : memref<512xf32, #tpu.memory_space<vmem>>)
    %dma_wait3A_563 = arith.constant 3584 : i32
    %dma_wait3A_564 = tpu.memref_slice %arg6[%dma_wait3A_563] : memref<13312xf32, #tpu.memory_space<vmem>> -> memref<512xf32, #tpu.memory_space<vmem>>
    %dma_wait3A_565 = arith.constant 3584 : i32
    %dma_wait3A_566 = tpu.memref_slice %arg5[%dma_wait3A_565] : memref<13312xi32, #tpu.memory_space<vmem>> -> memref<512xi32, #tpu.memory_space<vmem>>
    %dma_wait3A_567 = arith.constant 0 : i32
    %dma_wait3A_568 = tpu.memref_slice %arg3[%dma_wait3A_567] : memref<2609152xf32, #tpu.memory_space<hbm>> -> memref<2609152xf32, #tpu.memory_space<hbm>>
    tpu.wait_indirect_dma semaphore(%arg8 : memref<!tpu.dma_semaphore, #tpu.memory_space<semaphore_mem>>) src(%dma_wait3A_568 : memref<2609152xf32, #tpu.memory_space<hbm>>) dst(%dma_wait3A_564 : memref<512xf32, #tpu.memory_space<vmem>>)
    %dma_wait3A_569 = arith.constant 4096 : i32
    %dma_wait3A_570 = tpu.memref_slice %arg6[%dma_wait3A_569] : memref<13312xf32, #tpu.memory_space<vmem>> -> memref<512xf32, #tpu.memory_space<vmem>>
    %dma_wait3A_571 = arith.constant 4096 : i32
    %dma_wait3A_572 = tpu.memref_slice %arg5[%dma_wait3A_571] : memref<13312xi32, #tpu.memory_space<vmem>> -> memref<512xi32, #tpu.memory_space<vmem>>
    %dma_wait3A_573 = arith.constant 0 : i32
    %dma_wait3A_574 = tpu.memref_slice %arg3[%dma_wait3A_573] : memref<2609152xf32, #tpu.memory_space<hbm>> -> memref<2609152xf32, #tpu.memory_space<hbm>>
    tpu.wait_indirect_dma semaphore(%arg8 : memref<!tpu.dma_semaphore, #tpu.memory_space<semaphore_mem>>) src(%dma_wait3A_574 : memref<2609152xf32, #tpu.memory_space<hbm>>) dst(%dma_wait3A_570 : memref<512xf32, #tpu.memory_space<vmem>>)
    %dma_wait3A_575 = arith.constant 4608 : i32
    %dma_wait3A_576 = tpu.memref_slice %arg6[%dma_wait3A_575] : memref<13312xf32, #tpu.memory_space<vmem>> -> memref<512xf32, #tpu.memory_space<vmem>>
    %dma_wait3A_577 = arith.constant 4608 : i32
    %dma_wait3A_578 = tpu.memref_slice %arg5[%dma_wait3A_577] : memref<13312xi32, #tpu.memory_space<vmem>> -> memref<512xi32, #tpu.memory_space<vmem>>
    %dma_wait3A_579 = arith.constant 0 : i32
    %dma_wait3A_580 = tpu.memref_slice %arg3[%dma_wait3A_579] : memref<2609152xf32, #tpu.memory_space<hbm>> -> memref<2609152xf32, #tpu.memory_space<hbm>>
    tpu.wait_indirect_dma semaphore(%arg8 : memref<!tpu.dma_semaphore, #tpu.memory_space<semaphore_mem>>) src(%dma_wait3A_580 : memref<2609152xf32, #tpu.memory_space<hbm>>) dst(%dma_wait3A_576 : memref<512xf32, #tpu.memory_space<vmem>>)
    %dma_wait3A_581 = arith.constant 5120 : i32
    %dma_wait3A_582 = tpu.memref_slice %arg6[%dma_wait3A_581] : memref<13312xf32, #tpu.memory_space<vmem>> -> memref<512xf32, #tpu.memory_space<vmem>>
    %dma_wait3A_583 = arith.constant 5120 : i32
    %dma_wait3A_584 = tpu.memref_slice %arg5[%dma_wait3A_583] : memref<13312xi32, #tpu.memory_space<vmem>> -> memref<512xi32, #tpu.memory_space<vmem>>
    %dma_wait3A_585 = arith.constant 0 : i32
    %dma_wait3A_586 = tpu.memref_slice %arg3[%dma_wait3A_585] : memref<2609152xf32, #tpu.memory_space<hbm>> -> memref<2609152xf32, #tpu.memory_space<hbm>>
    tpu.wait_indirect_dma semaphore(%arg8 : memref<!tpu.dma_semaphore, #tpu.memory_space<semaphore_mem>>) src(%dma_wait3A_586 : memref<2609152xf32, #tpu.memory_space<hbm>>) dst(%dma_wait3A_582 : memref<512xf32, #tpu.memory_space<vmem>>)
    %dma_wait3A_587 = arith.constant 5632 : i32
    %dma_wait3A_588 = tpu.memref_slice %arg6[%dma_wait3A_587] : memref<13312xf32, #tpu.memory_space<vmem>> -> memref<512xf32, #tpu.memory_space<vmem>>
    %dma_wait3A_589 = arith.constant 5632 : i32
    %dma_wait3A_590 = tpu.memref_slice %arg5[%dma_wait3A_589] : memref<13312xi32, #tpu.memory_space<vmem>> -> memref<512xi32, #tpu.memory_space<vmem>>
    %dma_wait3A_591 = arith.constant 0 : i32
    %dma_wait3A_592 = tpu.memref_slice %arg3[%dma_wait3A_591] : memref<2609152xf32, #tpu.memory_space<hbm>> -> memref<2609152xf32, #tpu.memory_space<hbm>>
    tpu.wait_indirect_dma semaphore(%arg8 : memref<!tpu.dma_semaphore, #tpu.memory_space<semaphore_mem>>) src(%dma_wait3A_592 : memref<2609152xf32, #tpu.memory_space<hbm>>) dst(%dma_wait3A_588 : memref<512xf32, #tpu.memory_space<vmem>>)
    %dma_wait3A_593 = arith.constant 6144 : i32
    %dma_wait3A_594 = tpu.memref_slice %arg6[%dma_wait3A_593] : memref<13312xf32, #tpu.memory_space<vmem>> -> memref<512xf32, #tpu.memory_space<vmem>>
    %dma_wait3A_595 = arith.constant 6144 : i32
    %dma_wait3A_596 = tpu.memref_slice %arg5[%dma_wait3A_595] : memref<13312xi32, #tpu.memory_space<vmem>> -> memref<512xi32, #tpu.memory_space<vmem>>
    %dma_wait3A_597 = arith.constant 0 : i32
    %dma_wait3A_598 = tpu.memref_slice %arg3[%dma_wait3A_597] : memref<2609152xf32, #tpu.memory_space<hbm>> -> memref<2609152xf32, #tpu.memory_space<hbm>>
    tpu.wait_indirect_dma semaphore(%arg8 : memref<!tpu.dma_semaphore, #tpu.memory_space<semaphore_mem>>) src(%dma_wait3A_598 : memref<2609152xf32, #tpu.memory_space<hbm>>) dst(%dma_wait3A_594 : memref<512xf32, #tpu.memory_space<vmem>>)
    %dma_wait3A_599 = arith.constant 6656 : i32
    %dma_wait3A_600 = tpu.memref_slice %arg6[%dma_wait3A_599] : memref<13312xf32, #tpu.memory_space<vmem>> -> memref<512xf32, #tpu.memory_space<vmem>>
    %dma_wait3A_601 = arith.constant 6656 : i32
    %dma_wait3A_602 = tpu.memref_slice %arg5[%dma_wait3A_601] : memref<13312xi32, #tpu.memory_space<vmem>> -> memref<512xi32, #tpu.memory_space<vmem>>
    %dma_wait3A_603 = arith.constant 0 : i32
    %dma_wait3A_604 = tpu.memref_slice %arg3[%dma_wait3A_603] : memref<2609152xf32, #tpu.memory_space<hbm>> -> memref<2609152xf32, #tpu.memory_space<hbm>>
    tpu.wait_indirect_dma semaphore(%arg8 : memref<!tpu.dma_semaphore, #tpu.memory_space<semaphore_mem>>) src(%dma_wait3A_604 : memref<2609152xf32, #tpu.memory_space<hbm>>) dst(%dma_wait3A_600 : memref<512xf32, #tpu.memory_space<vmem>>)
    %dma_wait3A_605 = arith.constant 7168 : i32
    %dma_wait3A_606 = tpu.memref_slice %arg6[%dma_wait3A_605] : memref<13312xf32, #tpu.memory_space<vmem>> -> memref<512xf32, #tpu.memory_space<vmem>>
    %dma_wait3A_607 = arith.constant 7168 : i32
    %dma_wait3A_608 = tpu.memref_slice %arg5[%dma_wait3A_607] : memref<13312xi32, #tpu.memory_space<vmem>> -> memref<512xi32, #tpu.memory_space<vmem>>
    %dma_wait3A_609 = arith.constant 0 : i32
    %dma_wait3A_610 = tpu.memref_slice %arg3[%dma_wait3A_609] : memref<2609152xf32, #tpu.memory_space<hbm>> -> memref<2609152xf32, #tpu.memory_space<hbm>>
    tpu.wait_indirect_dma semaphore(%arg8 : memref<!tpu.dma_semaphore, #tpu.memory_space<semaphore_mem>>) src(%dma_wait3A_610 : memref<2609152xf32, #tpu.memory_space<hbm>>) dst(%dma_wait3A_606 : memref<512xf32, #tpu.memory_space<vmem>>)
    %dma_wait3A_611 = arith.constant 7680 : i32
    %dma_wait3A_612 = tpu.memref_slice %arg6[%dma_wait3A_611] : memref<13312xf32, #tpu.memory_space<vmem>> -> memref<512xf32, #tpu.memory_space<vmem>>
    %dma_wait3A_613 = arith.constant 7680 : i32
    %dma_wait3A_614 = tpu.memref_slice %arg5[%dma_wait3A_613] : memref<13312xi32, #tpu.memory_space<vmem>> -> memref<512xi32, #tpu.memory_space<vmem>>
    %dma_wait3A_615 = arith.constant 0 : i32
    %dma_wait3A_616 = tpu.memref_slice %arg3[%dma_wait3A_615] : memref<2609152xf32, #tpu.memory_space<hbm>> -> memref<2609152xf32, #tpu.memory_space<hbm>>
    tpu.wait_indirect_dma semaphore(%arg8 : memref<!tpu.dma_semaphore, #tpu.memory_space<semaphore_mem>>) src(%dma_wait3A_616 : memref<2609152xf32, #tpu.memory_space<hbm>>) dst(%dma_wait3A_612 : memref<512xf32, #tpu.memory_space<vmem>>)
    %dma_wait3A_617 = arith.constant 8192 : i32
    %dma_wait3A_618 = tpu.memref_slice %arg6[%dma_wait3A_617] : memref<13312xf32, #tpu.memory_space<vmem>> -> memref<512xf32, #tpu.memory_space<vmem>>
    %dma_wait3A_619 = arith.constant 8192 : i32
    %dma_wait3A_620 = tpu.memref_slice %arg5[%dma_wait3A_619] : memref<13312xi32, #tpu.memory_space<vmem>> -> memref<512xi32, #tpu.memory_space<vmem>>
    %dma_wait3A_621 = arith.constant 0 : i32
    %dma_wait3A_622 = tpu.memref_slice %arg3[%dma_wait3A_621] : memref<2609152xf32, #tpu.memory_space<hbm>> -> memref<2609152xf32, #tpu.memory_space<hbm>>
    tpu.wait_indirect_dma semaphore(%arg8 : memref<!tpu.dma_semaphore, #tpu.memory_space<semaphore_mem>>) src(%dma_wait3A_622 : memref<2609152xf32, #tpu.memory_space<hbm>>) dst(%dma_wait3A_618 : memref<512xf32, #tpu.memory_space<vmem>>)
    %dma_wait3A_623 = arith.constant 8704 : i32
    %dma_wait3A_624 = tpu.memref_slice %arg6[%dma_wait3A_623] : memref<13312xf32, #tpu.memory_space<vmem>> -> memref<512xf32, #tpu.memory_space<vmem>>
    %dma_wait3A_625 = arith.constant 8704 : i32
    %dma_wait3A_626 = tpu.memref_slice %arg5[%dma_wait3A_625] : memref<13312xi32, #tpu.memory_space<vmem>> -> memref<512xi32, #tpu.memory_space<vmem>>
    %dma_wait3A_627 = arith.constant 0 : i32
    %dma_wait3A_628 = tpu.memref_slice %arg3[%dma_wait3A_627] : memref<2609152xf32, #tpu.memory_space<hbm>> -> memref<2609152xf32, #tpu.memory_space<hbm>>
    tpu.wait_indirect_dma semaphore(%arg8 : memref<!tpu.dma_semaphore, #tpu.memory_space<semaphore_mem>>) src(%dma_wait3A_628 : memref<2609152xf32, #tpu.memory_space<hbm>>) dst(%dma_wait3A_624 : memref<512xf32, #tpu.memory_space<vmem>>)
    %dma_wait3A_629 = arith.constant 9216 : i32
    %dma_wait3A_630 = tpu.memref_slice %arg6[%dma_wait3A_629] : memref<13312xf32, #tpu.memory_space<vmem>> -> memref<512xf32, #tpu.memory_space<vmem>>
    %dma_wait3A_631 = arith.constant 9216 : i32
    %dma_wait3A_632 = tpu.memref_slice %arg5[%dma_wait3A_631] : memref<13312xi32, #tpu.memory_space<vmem>> -> memref<512xi32, #tpu.memory_space<vmem>>
    %dma_wait3A_633 = arith.constant 0 : i32
    %dma_wait3A_634 = tpu.memref_slice %arg3[%dma_wait3A_633] : memref<2609152xf32, #tpu.memory_space<hbm>> -> memref<2609152xf32, #tpu.memory_space<hbm>>
    tpu.wait_indirect_dma semaphore(%arg8 : memref<!tpu.dma_semaphore, #tpu.memory_space<semaphore_mem>>) src(%dma_wait3A_634 : memref<2609152xf32, #tpu.memory_space<hbm>>) dst(%dma_wait3A_630 : memref<512xf32, #tpu.memory_space<vmem>>)
    %dma_wait3A_635 = arith.constant 9728 : i32
    %dma_wait3A_636 = tpu.memref_slice %arg6[%dma_wait3A_635] : memref<13312xf32, #tpu.memory_space<vmem>> -> memref<512xf32, #tpu.memory_space<vmem>>
    %dma_wait3A_637 = arith.constant 9728 : i32
    %dma_wait3A_638 = tpu.memref_slice %arg5[%dma_wait3A_637] : memref<13312xi32, #tpu.memory_space<vmem>> -> memref<512xi32, #tpu.memory_space<vmem>>
    %dma_wait3A_639 = arith.constant 0 : i32
    %dma_wait3A_640 = tpu.memref_slice %arg3[%dma_wait3A_639] : memref<2609152xf32, #tpu.memory_space<hbm>> -> memref<2609152xf32, #tpu.memory_space<hbm>>
    tpu.wait_indirect_dma semaphore(%arg8 : memref<!tpu.dma_semaphore, #tpu.memory_space<semaphore_mem>>) src(%dma_wait3A_640 : memref<2609152xf32, #tpu.memory_space<hbm>>) dst(%dma_wait3A_636 : memref<512xf32, #tpu.memory_space<vmem>>)
    %dma_wait3A_641 = arith.constant 10240 : i32
    %dma_wait3A_642 = tpu.memref_slice %arg6[%dma_wait3A_641] : memref<13312xf32, #tpu.memory_space<vmem>> -> memref<512xf32, #tpu.memory_space<vmem>>
    %dma_wait3A_643 = arith.constant 10240 : i32
    %dma_wait3A_644 = tpu.memref_slice %arg5[%dma_wait3A_643] : memref<13312xi32, #tpu.memory_space<vmem>> -> memref<512xi32, #tpu.memory_space<vmem>>
    %dma_wait3A_645 = arith.constant 0 : i32
    %dma_wait3A_646 = tpu.memref_slice %arg3[%dma_wait3A_645] : memref<2609152xf32, #tpu.memory_space<hbm>> -> memref<2609152xf32, #tpu.memory_space<hbm>>
    tpu.wait_indirect_dma semaphore(%arg8 : memref<!tpu.dma_semaphore, #tpu.memory_space<semaphore_mem>>) src(%dma_wait3A_646 : memref<2609152xf32, #tpu.memory_space<hbm>>) dst(%dma_wait3A_642 : memref<512xf32, #tpu.memory_space<vmem>>)
    %dma_wait3A_647 = arith.constant 10752 : i32
    %dma_wait3A_648 = tpu.memref_slice %arg6[%dma_wait3A_647] : memref<13312xf32, #tpu.memory_space<vmem>> -> memref<512xf32, #tpu.memory_space<vmem>>
    %dma_wait3A_649 = arith.constant 10752 : i32
    %dma_wait3A_650 = tpu.memref_slice %arg5[%dma_wait3A_649] : memref<13312xi32, #tpu.memory_space<vmem>> -> memref<512xi32, #tpu.memory_space<vmem>>
    %dma_wait3A_651 = arith.constant 0 : i32
    %dma_wait3A_652 = tpu.memref_slice %arg3[%dma_wait3A_651] : memref<2609152xf32, #tpu.memory_space<hbm>> -> memref<2609152xf32, #tpu.memory_space<hbm>>
    tpu.wait_indirect_dma semaphore(%arg8 : memref<!tpu.dma_semaphore, #tpu.memory_space<semaphore_mem>>) src(%dma_wait3A_652 : memref<2609152xf32, #tpu.memory_space<hbm>>) dst(%dma_wait3A_648 : memref<512xf32, #tpu.memory_space<vmem>>)
    %dma_wait3A_653 = arith.constant 11264 : i32
    %dma_wait3A_654 = tpu.memref_slice %arg6[%dma_wait3A_653] : memref<13312xf32, #tpu.memory_space<vmem>> -> memref<512xf32, #tpu.memory_space<vmem>>
    %dma_wait3A_655 = arith.constant 11264 : i32
    %dma_wait3A_656 = tpu.memref_slice %arg5[%dma_wait3A_655] : memref<13312xi32, #tpu.memory_space<vmem>> -> memref<512xi32, #tpu.memory_space<vmem>>
    %dma_wait3A_657 = arith.constant 0 : i32
    %dma_wait3A_658 = tpu.memref_slice %arg3[%dma_wait3A_657] : memref<2609152xf32, #tpu.memory_space<hbm>> -> memref<2609152xf32, #tpu.memory_space<hbm>>
    tpu.wait_indirect_dma semaphore(%arg8 : memref<!tpu.dma_semaphore, #tpu.memory_space<semaphore_mem>>) src(%dma_wait3A_658 : memref<2609152xf32, #tpu.memory_space<hbm>>) dst(%dma_wait3A_654 : memref<512xf32, #tpu.memory_space<vmem>>)
    %dma_wait3A_659 = arith.constant 11776 : i32
    %dma_wait3A_660 = tpu.memref_slice %arg6[%dma_wait3A_659] : memref<13312xf32, #tpu.memory_space<vmem>> -> memref<512xf32, #tpu.memory_space<vmem>>
    %dma_wait3A_661 = arith.constant 11776 : i32
    %dma_wait3A_662 = tpu.memref_slice %arg5[%dma_wait3A_661] : memref<13312xi32, #tpu.memory_space<vmem>> -> memref<512xi32, #tpu.memory_space<vmem>>
    %dma_wait3A_663 = arith.constant 0 : i32
    %dma_wait3A_664 = tpu.memref_slice %arg3[%dma_wait3A_663] : memref<2609152xf32, #tpu.memory_space<hbm>> -> memref<2609152xf32, #tpu.memory_space<hbm>>
    tpu.wait_indirect_dma semaphore(%arg8 : memref<!tpu.dma_semaphore, #tpu.memory_space<semaphore_mem>>) src(%dma_wait3A_664 : memref<2609152xf32, #tpu.memory_space<hbm>>) dst(%dma_wait3A_660 : memref<512xf32, #tpu.memory_space<vmem>>)
    %dma_wait3A_665 = arith.constant 12288 : i32
    %dma_wait3A_666 = tpu.memref_slice %arg6[%dma_wait3A_665] : memref<13312xf32, #tpu.memory_space<vmem>> -> memref<512xf32, #tpu.memory_space<vmem>>
    %dma_wait3A_667 = arith.constant 12288 : i32
    %dma_wait3A_668 = tpu.memref_slice %arg5[%dma_wait3A_667] : memref<13312xi32, #tpu.memory_space<vmem>> -> memref<512xi32, #tpu.memory_space<vmem>>
    %dma_wait3A_669 = arith.constant 0 : i32
    %dma_wait3A_670 = tpu.memref_slice %arg3[%dma_wait3A_669] : memref<2609152xf32, #tpu.memory_space<hbm>> -> memref<2609152xf32, #tpu.memory_space<hbm>>
    tpu.wait_indirect_dma semaphore(%arg8 : memref<!tpu.dma_semaphore, #tpu.memory_space<semaphore_mem>>) src(%dma_wait3A_670 : memref<2609152xf32, #tpu.memory_space<hbm>>) dst(%dma_wait3A_666 : memref<512xf32, #tpu.memory_space<vmem>>)
    %dma_wait3A_671 = arith.constant 12800 : i32
    %dma_wait3A_672 = tpu.memref_slice %arg6[%dma_wait3A_671] : memref<13312xf32, #tpu.memory_space<vmem>> -> memref<512xf32, #tpu.memory_space<vmem>>
    %dma_wait3A_673 = arith.constant 12800 : i32
    %dma_wait3A_674 = tpu.memref_slice %arg5[%dma_wait3A_673] : memref<13312xi32, #tpu.memory_space<vmem>> -> memref<512xi32, #tpu.memory_space<vmem>>
    %dma_wait3A_675 = arith.constant 0 : i32
    %dma_wait3A_676 = tpu.memref_slice %arg3[%dma_wait3A_675] : memref<2609152xf32, #tpu.memory_space<hbm>> -> memref<2609152xf32, #tpu.memory_space<hbm>>
    tpu.wait_indirect_dma semaphore(%arg8 : memref<!tpu.dma_semaphore, #tpu.memory_space<semaphore_mem>>) src(%dma_wait3A_676 : memref<2609152xf32, #tpu.memory_space<hbm>>) dst(%dma_wait3A_672 : memref<512xf32, #tpu.memory_space<vmem>>)
    %scan3A = arith.constant 0 : i32
    %scan3A_677 = arith.constant 0 : i32
    %scan3A_678 = arith.constant 32 : i32
    %scan3A_679 = arith.addi %scan3A_677, %scan3A_678 : i32
    %scan3A_680 = arith.constant 1 : i32
    scf.for %scan3A_682 = %scan3A_677 to %scan3A_679 step %scan3A_680  : i32 {
      %mul3A_683 = arith.constant 16 : i32
      %mul3A_684 = arith.muli %scan3A_682, %mul3A_683 : i32
      %get3A = arith.index_cast %mul3A_684 : i32 to index
      %get3A_685 = tpu.vector_load %arg6[%get3A] {strides = array<i32>} : memref<13312xf32, #tpu.memory_space<vmem>>, vector<16xf32>,
      %get3A_686 = vector.shape_cast %get3A_685 : vector<16xf32> to vector<16xf32>
      %mul3A_687 = arith.constant 16 : i32
      %mul3A_688 = arith.muli %scan3A_682, %mul3A_687 : i32
      %add3A_689 = arith.constant 512 : i32
      %add3A_690 = arith.addi %add3A_689, %mul3A_688 : i32
      %get3A_691 = arith.index_cast %add3A_690 : i32 to index
      %get3A_692 = tpu.vector_load %arg6[%get3A_691] {strides = array<i32>} : memref<13312xf32, #tpu.memory_space<vmem>>, vector<16xf32>,
      %get3A_693 = vector.shape_cast %get3A_692 : vector<16xf32> to vector<16xf32>
      %add3A_694 = arith.addf %get3A_686, %get3A_693 : vector<16xf32>
      %mul3A_695 = arith.constant 16 : i32
      %mul3A_696 = arith.muli %scan3A_682, %mul3A_695 : i32
      %add3A_697 = arith.constant 1024 : i32
      %add3A_698 = arith.addi %add3A_697, %mul3A_696 : i32
      %get3A_699 = arith.index_cast %add3A_698 : i32 to index
      %get3A_700 = tpu.vector_load %arg6[%get3A_699] {strides = array<i32>} : memref<13312xf32, #tpu.memory_space<vmem>>, vector<16xf32>,
      %get3A_701 = vector.shape_cast %get3A_700 : vector<16xf32> to vector<16xf32>
      %add3A_702 = arith.addf %add3A_694, %get3A_701 : vector<16xf32>
      %mul3A_703 = arith.constant 16 : i32
      %mul3A_704 = arith.muli %scan3A_682, %mul3A_703 : i32
      %add3A_705 = arith.constant 1536 : i32
      %add3A_706 = arith.addi %add3A_705, %mul3A_704 : i32
      %get3A_707 = arith.index_cast %add3A_706 : i32 to index
      %get3A_708 = tpu.vector_load %arg6[%get3A_707] {strides = array<i32>} : memref<13312xf32, #tpu.memory_space<vmem>>, vector<16xf32>,
      %get3A_709 = vector.shape_cast %get3A_708 : vector<16xf32> to vector<16xf32>
      %add3A_710 = arith.addf %add3A_702, %get3A_709 : vector<16xf32>
      %mul3A_711 = arith.constant 16 : i32
      %mul3A_712 = arith.muli %scan3A_682, %mul3A_711 : i32
      %add3A_713 = arith.constant 2048 : i32
      %add3A_714 = arith.addi %add3A_713, %mul3A_712 : i32
      %get3A_715 = arith.index_cast %add3A_714 : i32 to index
      %get3A_716 = tpu.vector_load %arg6[%get3A_715] {strides = array<i32>} : memref<13312xf32, #tpu.memory_space<vmem>>, vector<16xf32>,
      %get3A_717 = vector.shape_cast %get3A_716 : vector<16xf32> to vector<16xf32>
      %add3A_718 = arith.addf %add3A_710, %get3A_717 : vector<16xf32>
      %mul3A_719 = arith.constant 16 : i32
      %mul3A_720 = arith.muli %scan3A_682, %mul3A_719 : i32
      %add3A_721 = arith.constant 2560 : i32
      %add3A_722 = arith.addi %add3A_721, %mul3A_720 : i32
      %get3A_723 = arith.index_cast %add3A_722 : i32 to index
      %get3A_724 = tpu.vector_load %arg6[%get3A_723] {strides = array<i32>} : memref<13312xf32, #tpu.memory_space<vmem>>, vector<16xf32>,
      %get3A_725 = vector.shape_cast %get3A_724 : vector<16xf32> to vector<16xf32>
      %add3A_726 = arith.addf %add3A_718, %get3A_725 : vector<16xf32>
      %mul3A_727 = arith.constant 16 : i32
      %mul3A_728 = arith.muli %scan3A_682, %mul3A_727 : i32
      %add3A_729 = arith.constant 3072 : i32
      %add3A_730 = arith.addi %add3A_729, %mul3A_728 : i32
      %get3A_731 = arith.index_cast %add3A_730 : i32 to index
      %get3A_732 = tpu.vector_load %arg6[%get3A_731] {strides = array<i32>} : memref<13312xf32, #tpu.memory_space<vmem>>, vector<16xf32>,
      %get3A_733 = vector.shape_cast %get3A_732 : vector<16xf32> to vector<16xf32>
      %add3A_734 = arith.addf %add3A_726, %get3A_733 : vector<16xf32>
      %mul3A_735 = arith.constant 16 : i32
      %mul3A_736 = arith.muli %scan3A_682, %mul3A_735 : i32
      %add3A_737 = arith.constant 3584 : i32
      %add3A_738 = arith.addi %add3A_737, %mul3A_736 : i32
      %get3A_739 = arith.index_cast %add3A_738 : i32 to index
      %get3A_740 = tpu.vector_load %arg6[%get3A_739] {strides = array<i32>} : memref<13312xf32, #tpu.memory_space<vmem>>, vector<16xf32>,
      %get3A_741 = vector.shape_cast %get3A_740 : vector<16xf32> to vector<16xf32>
      %add3A_742 = arith.addf %add3A_734, %get3A_741 : vector<16xf32>
      %mul3A_743 = arith.constant 16 : i32
      %mul3A_744 = arith.muli %scan3A_682, %mul3A_743 : i32
      %add3A_745 = arith.constant 4096 : i32
      %add3A_746 = arith.addi %add3A_745, %mul3A_744 : i32
      %get3A_747 = arith.index_cast %add3A_746 : i32 to index
      %get3A_748 = tpu.vector_load %arg6[%get3A_747] {strides = array<i32>} : memref<13312xf32, #tpu.memory_space<vmem>>, vector<16xf32>,
      %get3A_749 = vector.shape_cast %get3A_748 : vector<16xf32> to vector<16xf32>
      %add3A_750 = arith.addf %add3A_742, %get3A_749 : vector<16xf32>
      %mul3A_751 = arith.constant 16 : i32
      %mul3A_752 = arith.muli %scan3A_682, %mul3A_751 : i32
      %add3A_753 = arith.constant 4608 : i32
      %add3A_754 = arith.addi %add3A_753, %mul3A_752 : i32
      %get3A_755 = arith.index_cast %add3A_754 : i32 to index
      %get3A_756 = tpu.vector_load %arg6[%get3A_755] {strides = array<i32>} : memref<13312xf32, #tpu.memory_space<vmem>>, vector<16xf32>,
      %get3A_757 = vector.shape_cast %get3A_756 : vector<16xf32> to vector<16xf32>
      %add3A_758 = arith.addf %add3A_750, %get3A_757 : vector<16xf32>
      %mul3A_759 = arith.constant 16 : i32
      %mul3A_760 = arith.muli %scan3A_682, %mul3A_759 : i32
      %add3A_761 = arith.constant 5120 : i32
      %add3A_762 = arith.addi %add3A_761, %mul3A_760 : i32
      %get3A_763 = arith.index_cast %add3A_762 : i32 to index
      %get3A_764 = tpu.vector_load %arg6[%get3A_763] {strides = array<i32>} : memref<13312xf32, #tpu.memory_space<vmem>>, vector<16xf32>,
      %get3A_765 = vector.shape_cast %get3A_764 : vector<16xf32> to vector<16xf32>
      %add3A_766 = arith.addf %add3A_758, %get3A_765 : vector<16xf32>
      %mul3A_767 = arith.constant 16 : i32
      %mul3A_768 = arith.muli %scan3A_682, %mul3A_767 : i32
      %add3A_769 = arith.constant 5632 : i32
      %add3A_770 = arith.addi %add3A_769, %mul3A_768 : i32
      %get3A_771 = arith.index_cast %add3A_770 : i32 to index
      %get3A_772 = tpu.vector_load %arg6[%get3A_771] {strides = array<i32>} : memref<13312xf32, #tpu.memory_space<vmem>>, vector<16xf32>,
      %get3A_773 = vector.shape_cast %get3A_772 : vector<16xf32> to vector<16xf32>
      %add3A_774 = arith.addf %add3A_766, %get3A_773 : vector<16xf32>
      %mul3A_775 = arith.constant 16 : i32
      %mul3A_776 = arith.muli %scan3A_682, %mul3A_775 : i32
      %add3A_777 = arith.constant 6144 : i32
      %add3A_778 = arith.addi %add3A_777, %mul3A_776 : i32
      %get3A_779 = arith.index_cast %add3A_778 : i32 to index
      %get3A_780 = tpu.vector_load %arg6[%get3A_779] {strides = array<i32>} : memref<13312xf32, #tpu.memory_space<vmem>>, vector<16xf32>,
      %get3A_781 = vector.shape_cast %get3A_780 : vector<16xf32> to vector<16xf32>
      %add3A_782 = arith.addf %add3A_774, %get3A_781 : vector<16xf32>
      %mul3A_783 = arith.constant 16 : i32
      %mul3A_784 = arith.muli %scan3A_682, %mul3A_783 : i32
      %add3A_785 = arith.constant 6656 : i32
      %add3A_786 = arith.addi %add3A_785, %mul3A_784 : i32
      %get3A_787 = arith.index_cast %add3A_786 : i32 to index
      %get3A_788 = tpu.vector_load %arg6[%get3A_787] {strides = array<i32>} : memref<13312xf32, #tpu.memory_space<vmem>>, vector<16xf32>,
      %get3A_789 = vector.shape_cast %get3A_788 : vector<16xf32> to vector<16xf32>
      %add3A_790 = arith.addf %add3A_782, %get3A_789 : vector<16xf32>
      %mul3A_791 = arith.constant 16 : i32
      %mul3A_792 = arith.muli %scan3A_682, %mul3A_791 : i32
      %add3A_793 = arith.constant 7168 : i32
      %add3A_794 = arith.addi %add3A_793, %mul3A_792 : i32
      %get3A_795 = arith.index_cast %add3A_794 : i32 to index
      %get3A_796 = tpu.vector_load %arg6[%get3A_795] {strides = array<i32>} : memref<13312xf32, #tpu.memory_space<vmem>>, vector<16xf32>,
      %get3A_797 = vector.shape_cast %get3A_796 : vector<16xf32> to vector<16xf32>
      %add3A_798 = arith.addf %add3A_790, %get3A_797 : vector<16xf32>
      %mul3A_799 = arith.constant 16 : i32
      %mul3A_800 = arith.muli %scan3A_682, %mul3A_799 : i32
      %add3A_801 = arith.constant 7680 : i32
      %add3A_802 = arith.addi %add3A_801, %mul3A_800 : i32
      %get3A_803 = arith.index_cast %add3A_802 : i32 to index
      %get3A_804 = tpu.vector_load %arg6[%get3A_803] {strides = array<i32>} : memref<13312xf32, #tpu.memory_space<vmem>>, vector<16xf32>,
      %get3A_805 = vector.shape_cast %get3A_804 : vector<16xf32> to vector<16xf32>
      %add3A_806 = arith.addf %add3A_798, %get3A_805 : vector<16xf32>
      %mul3A_807 = arith.constant 16 : i32
      %mul3A_808 = arith.muli %scan3A_682, %mul3A_807 : i32
      %add3A_809 = arith.constant 8192 : i32
      %add3A_810 = arith.addi %add3A_809, %mul3A_808 : i32
      %get3A_811 = arith.index_cast %add3A_810 : i32 to index
      %get3A_812 = tpu.vector_load %arg6[%get3A_811] {strides = array<i32>} : memref<13312xf32, #tpu.memory_space<vmem>>, vector<16xf32>,
      %get3A_813 = vector.shape_cast %get3A_812 : vector<16xf32> to vector<16xf32>
      %add3A_814 = arith.addf %add3A_806, %get3A_813 : vector<16xf32>
      %mul3A_815 = arith.constant 16 : i32
      %mul3A_816 = arith.muli %scan3A_682, %mul3A_815 : i32
      %add3A_817 = arith.constant 8704 : i32
      %add3A_818 = arith.addi %add3A_817, %mul3A_816 : i32
      %get3A_819 = arith.index_cast %add3A_818 : i32 to index
      %get3A_820 = tpu.vector_load %arg6[%get3A_819] {strides = array<i32>} : memref<13312xf32, #tpu.memory_space<vmem>>, vector<16xf32>,
      %get3A_821 = vector.shape_cast %get3A_820 : vector<16xf32> to vector<16xf32>
      %add3A_822 = arith.addf %add3A_814, %get3A_821 : vector<16xf32>
      %mul3A_823 = arith.constant 16 : i32
      %mul3A_824 = arith.muli %scan3A_682, %mul3A_823 : i32
      %add3A_825 = arith.constant 9216 : i32
      %add3A_826 = arith.addi %add3A_825, %mul3A_824 : i32
      %get3A_827 = arith.index_cast %add3A_826 : i32 to index
      %get3A_828 = tpu.vector_load %arg6[%get3A_827] {strides = array<i32>} : memref<13312xf32, #tpu.memory_space<vmem>>, vector<16xf32>,
      %get3A_829 = vector.shape_cast %get3A_828 : vector<16xf32> to vector<16xf32>
      %add3A_830 = arith.addf %add3A_822, %get3A_829 : vector<16xf32>
      %mul3A_831 = arith.constant 16 : i32
      %mul3A_832 = arith.muli %scan3A_682, %mul3A_831 : i32
      %add3A_833 = arith.constant 9728 : i32
      %add3A_834 = arith.addi %add3A_833, %mul3A_832 : i32
      %get3A_835 = arith.index_cast %add3A_834 : i32 to index
      %get3A_836 = tpu.vector_load %arg6[%get3A_835] {strides = array<i32>} : memref<13312xf32, #tpu.memory_space<vmem>>, vector<16xf32>,
      %get3A_837 = vector.shape_cast %get3A_836 : vector<16xf32> to vector<16xf32>
      %add3A_838 = arith.addf %add3A_830, %get3A_837 : vector<16xf32>
      %mul3A_839 = arith.constant 16 : i32
      %mul3A_840 = arith.muli %scan3A_682, %mul3A_839 : i32
      %add3A_841 = arith.constant 10240 : i32
      %add3A_842 = arith.addi %add3A_841, %mul3A_840 : i32
      %get3A_843 = arith.index_cast %add3A_842 : i32 to index
      %get3A_844 = tpu.vector_load %arg6[%get3A_843] {strides = array<i32>} : memref<13312xf32, #tpu.memory_space<vmem>>, vector<16xf32>,
      %get3A_845 = vector.shape_cast %get3A_844 : vector<16xf32> to vector<16xf32>
      %add3A_846 = arith.addf %add3A_838, %get3A_845 : vector<16xf32>
      %mul3A_847 = arith.constant 16 : i32
      %mul3A_848 = arith.muli %scan3A_682, %mul3A_847 : i32
      %add3A_849 = arith.constant 10752 : i32
      %add3A_850 = arith.addi %add3A_849, %mul3A_848 : i32
      %get3A_851 = arith.index_cast %add3A_850 : i32 to index
      %get3A_852 = tpu.vector_load %arg6[%get3A_851] {strides = array<i32>} : memref<13312xf32, #tpu.memory_space<vmem>>, vector<16xf32>,
      %get3A_853 = vector.shape_cast %get3A_852 : vector<16xf32> to vector<16xf32>
      %add3A_854 = arith.addf %add3A_846, %get3A_853 : vector<16xf32>
      %mul3A_855 = arith.constant 16 : i32
      %mul3A_856 = arith.muli %scan3A_682, %mul3A_855 : i32
      %add3A_857 = arith.constant 11264 : i32
      %add3A_858 = arith.addi %add3A_857, %mul3A_856 : i32
      %get3A_859 = arith.index_cast %add3A_858 : i32 to index
      %get3A_860 = tpu.vector_load %arg6[%get3A_859] {strides = array<i32>} : memref<13312xf32, #tpu.memory_space<vmem>>, vector<16xf32>,
      %get3A_861 = vector.shape_cast %get3A_860 : vector<16xf32> to vector<16xf32>
      %add3A_862 = arith.addf %add3A_854, %get3A_861 : vector<16xf32>
      %mul3A_863 = arith.constant 16 : i32
      %mul3A_864 = arith.muli %scan3A_682, %mul3A_863 : i32
      %add3A_865 = arith.constant 11776 : i32
      %add3A_866 = arith.addi %add3A_865, %mul3A_864 : i32
      %get3A_867 = arith.index_cast %add3A_866 : i32 to index
      %get3A_868 = tpu.vector_load %arg6[%get3A_867] {strides = array<i32>} : memref<13312xf32, #tpu.memory_space<vmem>>, vector<16xf32>,
      %get3A_869 = vector.shape_cast %get3A_868 : vector<16xf32> to vector<16xf32>
      %add3A_870 = arith.addf %add3A_862, %get3A_869 : vector<16xf32>
      %mul3A_871 = arith.constant 16 : i32
      %mul3A_872 = arith.muli %scan3A_682, %mul3A_871 : i32
      %add3A_873 = arith.constant 12288 : i32
      %add3A_874 = arith.addi %add3A_873, %mul3A_872 : i32
      %get3A_875 = arith.index_cast %add3A_874 : i32 to index
      %get3A_876 = tpu.vector_load %arg6[%get3A_875] {strides = array<i32>} : memref<13312xf32, #tpu.memory_space<vmem>>, vector<16xf32>,
      %get3A_877 = vector.shape_cast %get3A_876 : vector<16xf32> to vector<16xf32>
      %add3A_878 = arith.addf %add3A_870, %get3A_877 : vector<16xf32>
      %mul3A_879 = arith.constant 16 : i32
      %mul3A_880 = arith.muli %scan3A_682, %mul3A_879 : i32
      %add3A_881 = arith.constant 12800 : i32
      %add3A_882 = arith.addi %add3A_881, %mul3A_880 : i32
      %get3A_883 = arith.index_cast %add3A_882 : i32 to index
      %get3A_884 = tpu.vector_load %arg6[%get3A_883] {strides = array<i32>} : memref<13312xf32, #tpu.memory_space<vmem>>, vector<16xf32>,
      %get3A_885 = vector.shape_cast %get3A_884 : vector<16xf32> to vector<16xf32>
      %add3A_886 = arith.addf %add3A_878, %get3A_885 : vector<16xf32>
      %mul3A_887 = arith.constant 16 : i32
      %mul3A_888 = arith.muli %scan3A_682, %mul3A_887 : i32
      %swap3A = arith.index_cast %mul3A_888 : i32 to index
      %swap3A_889 = tpu.vector_load %arg7[%swap3A] {strides = array<i32>} : memref<512xf32, #tpu.memory_space<vmem>>, vector<16xf32>,
      %swap3A_890 = vector.shape_cast %swap3A_889 : vector<16xf32> to vector<16xf32>
      %swap3A_891 = vector.shape_cast %add3A_886 : vector<16xf32> to vector<16xf32>
      tpu.vector_store %arg7[%swap3A], %swap3A_891 {strides = array<i32>} : memref<512xf32, #tpu.memory_space<vmem>>, vector<16xf32>,
    }
    %scan3A_681 = arith.constant 32 : i32
    "tpu.region"() ({
      %run_scoped3A = tpu.sem_alloc : memref<!tpu.dma_semaphore, #tpu.memory_space<semaphore_mem>>
      %dma_start3A_682 = tpu.memref_slice %arg4[%mul3A_2] : memref<16384xf32, #tpu.memory_space<hbm>> -> memref<512xf32, #tpu.memory_space<hbm>>
      %dma_start3A_683 = tpu.memref_slice %arg4[%mul3A_2] : memref<16384xf32, #tpu.memory_space<hbm>> -> memref<512xf32, #tpu.memory_space<hbm>>
      tpu.enqueue_dma source(%arg7 : memref<512xf32, #tpu.memory_space<vmem>>) target(%dma_start3A_683 : memref<512xf32, #tpu.memory_space<hbm>>) target_semaphore(%run_scoped3A : memref<!tpu.dma_semaphore, #tpu.memory_space<semaphore_mem>>)
      %dma_wait3A_684 = tpu.memref_slice %arg4[%mul3A_2] : memref<16384xf32, #tpu.memory_space<hbm>> -> memref<512xf32, #tpu.memory_space<hbm>>
      %dma_wait3A_685 = tpu.memref_slice %arg4[%mul3A_2] : memref<16384xf32, #tpu.memory_space<hbm>> -> memref<512xf32, #tpu.memory_space<hbm>>
      tpu.wait_dma2 semaphore(%run_scoped3A : memref<!tpu.dma_semaphore, #tpu.memory_space<semaphore_mem>>) src(%arg7 : memref<512xf32, #tpu.memory_space<vmem>>) dst(%dma_wait3A_685 : memref<512xf32, #tpu.memory_space<hbm>>)
      tpu.yield
    }) : () -> ()
    return
  }
}

</mosaic_0001>

<sc_bundles>
// kernel: kernel.3.cloned.1.call-start
scs
__scs_entry_jumppad:
0x0: {  	(pc) =	sbr.rel $0x88, $3  }
0x1: {  	(tag) =	ssettag $0x0;
	lr =	simm.s32 $0x1  }
0x2: {  	[smem:$0x3F9F] =	sst lr;
	_ =	strace $0xD0000000  }
0x3: {  	_ = 	snop  }
0x4: {  	_ = 	snop  }
0x5: {  	_ = 	snop  }
0x6: {  	_ = 	snop  }
0x7: {  	_ = 	snop  }
__scs_overlays_trampoline_lowered:
0x8: {  	[smem:$0x3FAE] =	sst s0  }
0x9: {  	[smem:$0x3FAF] =	sst s1  }
0xa: {  	[smem:$0x3FB0] =	sst s2  }
0xb: {  	[smem:$0x3FB1] =	sst s3  }
0xc: {  	[smem:$0x3FB2] =	sst s4  }
0xd: {  	[smem:$0x3FB3] =	sst s5  }
0xe: {  	[smem:$0x3FB4] =	sst s6  }
0xf: {  	[smem:$0x3FB5] =	sst s7  }
0x10: {  	[smem:$0x3FB6] =	sst s8  }
0x11: {  	[smem:$0x3FB7] =	sst s9;
	s0 =	simm.s32 @!p0 $0x0  }
0x12: {  	s1 =	sld [smem:$0x3F9D];
	s0 =	simm.s32 @p0 $0x1  }
0x13: {  	[smem:$0x3FB8] =	sst s0;
	s0 =	simm.s32 @!p1 $0x0  }
0x14: {  	s2 =	sld [smem:$0x3F9C];
	s0 =	simm.s32 @p1 $0x1  }
0x15: {  	[smem:$0x3FB9] =	sst s0;
	s0 =	simm.s32 @!p2 $0x0  }
0x16: {  	s3 =	sld [smem:$0x3FDB];
	s0 =	simm.s32 @p2 $0x1  }
0x17: {  	s4 =	simm.s32 $0x1BF5;
	[smem:$0x3FBB] =	sst s0  }
0x18: {  	s0 =	sld [smem:$0x3F9E];
	_ =	swait.ge [sflag:s4], $0x0  }
0x19: {  	s7 =	sld [smem:$0x3F9F]  }
0x1a: {  	s8 =	sadd.s32 $0xFFFFE003, lr  }
0x1b: {  	s9 =	sadd.s32 $0xFFFFFEF7, lr;
	s5 =	simm.s32 $0xFFFFFFFF;
	p2 =	slt.u32 s8, $0xFFFFF086  }
0x1c: {  	p1 =	slt.u32 s9, $0xF7A;
	s5 =	simm.s32 @!p2 $0x0  }
0x1d: {  	s5 =	simm.s32 @p1 $0x1;
	p0 =	seq.s32 s7, s2  }
0x1e: {  	s7 =	smul.u32 @!p0 $0xF7A, s2;
	p2 =	seq.s32 @!p0 s5, $0x0  }
0x1f: {  	s9 =	smul.u32 $0xF7A, s1;
	s8 =	simm.s32 @!p0 $0x1BF5;
	p2 =	por !p2, p0  }
0x20: {  	[sflag:s8] =	ssyncset.s32 @!p0 $0xFFFFF086;
	s6 =	sadd.s32 @!p0 s3, s7;
	s7 =	simm.s32 @!p0 $0x108  }
0x21: {  	s3 =	sadd.s32 s3, s9;
	s6 =	sadd.s32 @!p0 $0x88, s6;
	s7 =	simm.s32 @p2 $0x1082  }
0x22: {  	[simem:s7], [sflag:s8] =	dma.local @!p0 [hbm:s6], $0xF7A  }
0x23: {  	s9 =	sor.u32 $0xD0000000, s2;
	s6 =	simm.s32 $0x108;
	_ =	swait.ge @!p0 [sflag:s8], $0x0  }
0x24: {  	s3 =	sadd.s32 $0x88, s3;
	s6 =	simm.s32 @!p1 $0x1082;
	[sflag:s4] =	ssyncset.s32 $0xFFFFF086  }
0x25: {  	[simem:s6], [sflag:s4] =	dma.local [hbm:s3], $0xF7A  }
0x26: {  	[smem:$0x3F9F] =	sst s1;
	(tag) =	ssettag s2;
	_ =	strace s9  }
0x27: {  	s1 =	sld [smem:$0x3FAF]  }
0x28: {  	s2 =	sld [smem:$0x3FB0]  }
0x29: {  	s4 =	sld [smem:$0x3FB2]  }
0x2a: {  	p0 =	seq.s32 s5, $0x0;
	s5 =	sld [smem:$0x3FB3]  }
0x2b: {  	s6 =	sld [smem:$0x3FB4]  }
0x2c: {  	s7 =	sld [smem:$0x3FB5]  }
0x2d: {  	s3 =	simm.s32 $0x108;
	s8 =	sld [smem:$0x3FB6]  }
0x2e: {  	s3 =	simm.s32 @!p0 $0x1082;
	s9 =	sld [smem:$0x3FB7]  }
0x2f: {  	lr =	sadd.s32 s0, s3;
	s0 =	sld [smem:$0x3FAE]  }
0x30: {  	s3 =	sld [smem:$0x3FB1]  }
0x31: {  	[smem:$0x3FBA] =	sst s10  }
0x32: {  	s10 =	sld [smem:$0x3FB8];
	_ =	sdelay $0x3  }
0x33: {  	p0 =	seq.s32 s10, $0x1;
	s10 =	sld [smem:$0x3FBA];
	_ =	sdelay $0x3  }
0x34: {  	[smem:$0x3FBA] =	sst s10  }
0x35: {  	s10 =	sld [smem:$0x3FB9];
	_ =	sdelay $0x3  }
0x36: {  	p1 =	seq.s32 s10, $0x1;
	s10 =	sld [smem:$0x3FBA];
	_ =	sdelay $0x3  }
0x37: {  	[smem:$0x3FBA] =	sst s10  }
0x38: {  	s10 =	sld [smem:$0x3FBB]  }
0x39: {  	_ = 	snop;
	(pc) =	sbr.ind lr, $3  }
0x3a: {  	_ = 	snop  }
0x3b: {  	_ = 	snop  }
0x3c: {  	p2 =	seq.s32 s10, $0x1;
	s10 =	sld [smem:$0x3FBA]  }
0x3d: {  	_ =	shalt  }
0x3e: {  	_ =	shalt  }
0x3f: {  	_ =	shalt  }
0x40: {  	_ =	shalt  }
0x41: {  	_ =	shalt  }
0x42: {  	_ =	shalt  }
0x43: {  	_ =	shalt  }
0x44: {  	_ =	shalt  }
0x45: {  	_ =	shalt  }
0x46: {  	_ =	shalt  }
0x47: {  	_ =	shalt  }
0x48: {  	_ =	shalt  }
0x49: {  	_ =	shalt  }
0x4a: {  	_ =	shalt  }
0x4b: {  	_ =	shalt  }
0x4c: {  	_ =	shalt  }
0x4d: {  	_ =	shalt  }
0x4e: {  	_ =	shalt  }
0x4f: {  	_ =	shalt  }
0x50: {  	_ =	shalt  }
0x51: {  	_ =	shalt  }
0x52: {  	_ =	shalt  }
0x53: {  	_ =	shalt  }
0x54: {  	_ =	shalt  }
0x55: {  	_ =	shalt  }
0x56: {  	_ =	shalt  }
0x57: {  	_ =	shalt  }
0x58: {  	_ =	shalt  }
0x59: {  	_ =	shalt  }
0x5a: {  	_ =	shalt  }
0x5b: {  	_ =	shalt  }
0x5c: {  	_ =	shalt  }
0x5d: {  	_ =	shalt  }
0x5e: {  	_ =	shalt  }
0x5f: {  	_ =	shalt  }
0x60: {  	_ =	shalt  }
0x61: {  	_ =	shalt  }
0x62: {  	_ =	shalt  }
0x63: {  	_ =	shalt  }
0x64: {  	_ =	shalt  }
0x65: {  	_ =	shalt  }
0x66: {  	_ =	shalt  }
0x67: {  	_ =	shalt  }
0x68: {  	_ =	shalt  }
0x69: {  	_ =	shalt  }
0x6a: {  	_ =	shalt  }
0x6b: {  	_ =	shalt  }
0x6c: {  	_ =	shalt  }
0x6d: {  	_ =	shalt  }
0x6e: {  	_ =	shalt  }
0x6f: {  	_ =	shalt  }
0x70: {  	_ =	shalt  }
0x71: {  	_ =	shalt  }
0x72: {  	_ =	shalt  }
0x73: {  	_ =	shalt  }
0x74: {  	_ =	shalt  }
0x75: {  	_ =	shalt  }
0x76: {  	_ =	shalt  }
0x77: {  	_ =	shalt  }
0x78: {  	_ =	shalt  }
0x79: {  	_ =	shalt  }
0x7a: {  	_ =	shalt  }
0x7b: {  	_ =	shalt  }
0x7c: {  	_ =	shalt  }
0x7d: {  	_ =	shalt  }
0x7e: {  	_ =	shalt  }
0x7f: {  	_ =	shalt  }
0x80: {  	_ =	shalt  }
0x81: {  	_ =	shalt  }
0x82: {  	_ =	shalt  }
0x83: {  	_ =	shalt  }
0x84: {  	_ =	shalt  }
0x85: {  	_ =	shalt  }
0x86: {  	_ =	shalt  }
0x87: {  	_ =	shalt  }
.Lfunc_end0:
.L_simem_size_0:
called_computation_lowered:
.L_overlay_start_0:
0x88: {  	s2 =	sld [smem:$0x3FD9]  }
0x89: {  	s3 =	sld [smem:$0x3FFE];
	_ =	sdelay $0x1  }
0x8a: {  	s1 =	srdreg.scid  }
0x8b: {  	s0 =	sand.u32 $0x1, s1  }
0x8c: {  	s17 =	sshll.u32 s0, $0xA;
	s2 =	sadd.s32 s3, s2  }
0x8d: {  	s2 =	sadd.s32 s2, s17  }
0x8e: {  	[smem:$0x3FC6] =	sst s2  }
0x8f: {  	_ = 	snop  }
0x90: {  	s2 =	sld [smem:$0x3FD0];
	(tm) =	ssettm $0x1  }
0x91: {  	s18 =	sld [smem:$0x3FFB];
	_ =	sdelay $0x3  }
0x92: {  	_ =	strace s18  }
0x93: {  	s3 =	sld [smem:$0x3FFC];
	_ =	sdelay $0x3  }
0x94: {  	_ =	strace s3  }
0x95: {  	s3 =	sld [smem:$0x3FFD];
	_ =	sdelay $0x3  }
0x96: {  	_ =	strace s3  }
0x97: {  	_ =	strace $0x8FFFFFFF  }
0x98: {  	s19 =	sld [smem:$0x3FDB];
	_ =	sdelay $0x1  }
0x99: {  	s4 =	simm.s32 $_scs_section_size  }
0x9a: {  	s5 =	simm.s32 $_size__tile_overlayer_lowered;
	s6 =	simm.s32 $_tile_overlayer_lowered  }
0x9b: {  	s22 =	simm.s32 $0x1BFF;
	s21 =	sshll.u32 s6, $0x1;
	s3 =	sadd.s32 s4, s19  }
0x9c: {  	s7 =	simm.s32 $0x0;
	s20 =	sshll.u32 s5, $0x1;
	s5 =	sadd.s32 s21, s3  }
0x9d: {  	[timem:s7], [sflag:s22] =	dma.local [hbm:s5], s20  }
0x9e: {  	_ =	swait.ge [sflag:s22], s20  }
0x9f: {  	s4 =	ssub.s32 $0x0, s20;
	[sflag:s22] =	ssyncset.done $0x0  }
0xa0: {  	[sflag:s22] =	ssyncadd.s32 s4;
	_ =	sdelay $0x1  }
0xa1: {  	s23 =	simm.s32 $0x1B8B  }
0xa2: {  	_ =	swait.ge [sflag:s23], $0x1  }
0xa3: {  	[sflag:s23] =	ssyncset.done $0x0  }
0xa4: {  	s25 =	simm.s32 $0x1B8E;
	s24 =	sld [smem:$0x3FFE];
	[sflag:s23] =	ssyncadd.s32 $0xFFFFFFFF  }
0xa5: {  	s26 =	simm.s32 $execute0_lowered;
	[smem:$0x3FD2] =	sst s25  }
0xa6: {  	s5 =	sshll.u32 s26, $0x1;
	_ =	strace $0x80000046;
	[dreg:$0x1] =	wrdreg $0xFFFFFFFF  }
0xa7: {  	s28 =	simm.s32 $_size_execute0_lowered;
	s3 =	sadd.s32 s3, s5;
	[dreg:$0x0] =	wrdreg $0x0  }
0xa8: {  	s5 =	sshll.u32 s28, $0x1;
	[dreg:$0x2] =	wrdreg s3  }
0xa9: {  	[dreg:$0x3] =	wrdreg s5  }
0xaa: {  	[dreg:$0x4] =	wrdreg $0xC0  }
0xab: {  	_ =	task [dreg:s7], $0x5FFFF  }
0xac: {  	[dreg:$0x1] =	wrdreg $0xFFFFFFFF  }
0xad: {  	[dreg:$0x0] =	wrdreg $0x60  }
0xae: {  	[dreg:$0x2] =	wrdreg s24  }
0xaf: {  	[dreg:$0x3] =	wrdreg s2  }
0xb0: {  	[dreg:$0x4] =	wrdreg $0x9  }
0xb1: {  	_ =	task.clear_ibuf [dreg:s7], $0x5FFFF;
	_ =	strace $0x90000046  }
0xb2: {  	s29 =	simm.s32 $0x9;
	_ =	strace $0x80000048  }
0xb3: {  	_ =	swait.ge [sflag:s29], $0x1  }
0xb4: {  	[sflag:s29] =	ssyncadd.s32 $0xFFFFFFFF  }
0xb5: {  	_ =	strace $0x90000048  }
0xb6: {  	_ =	sfence  }
0xb7: {  	s30 =	sld [smem:$0x0];
	_ =	sdelay $0x2  }
0xb8: {  	s31 =	sshll.u32 s1, $0xD;
	s1 =	sshrl.u32 s1, $0x2  }
0xb9: {  	s3 =	sand.u32 $0x4000, s31;
	s1 =	sadd.s32 s1, s30  }
0xba: {  	s0 =	sor.u32 s3, s0;
	s1 =	sshll.u32 s1, $0x11  }
0xbb: {  	s0 =	sor.u32 s1, s0  }
0xbc: {  	s0 =	sadd.s32 $0x8F2B, s0  }
0xbd: {  	[sflag:s0] =	ssyncadd.remote.s32 $0x1  }
0xbe: {  	_ =	sfence.sel $0xFFFF  }
0xbf: {  	[dreg:$0x0] =	wrdreg $0xFFFFFFFF;
	(pc) =	sbr.abs _section_cstart, $3  }
0xc0: {  	[dreg:$0x1] =	wrdreg $0xFFFFFFFF  }
0xc1: {  	_ =	task.clear_ibuf [dreg:s7], $0x2FFFF;
	_ =	strace $0x9FFFFFFF  }
0xc2: {  	(tm) =	ssettm $0x7FFFFFFF  }
0xc3: {  	_ =	shalt  }
tec
execute0_lowered:
.L_overlay_start_1:
0x0: {  	(tag) =	ssettag $0x1  }
0x1: {  	s3 =	srdreg.scid  }
0x2: {  	s4 =	stileid.u32;
	s3 =	sand.u32 $0x1, s3  }
0x3: {  	s0 =	rddreg [dreg:$0x0];
	s4 =	sshll.u32 s4, $0x7;
	s5 =	sshll.u32 s3, $0x6  }
0x4: {  	s1 =	rddreg [dreg:$0x1];
	s2 =	simm.s32 $0x0;
	s4 =	sor.u32 s5, s4  }
0x5: {  	[smem:$0x7FF] =	sst s2;
	s7 =	sadd.s32 s4, s0;
	s1 =	sadd.s32 s1, s4  }
0x6: {  	_ =	strace $0x80000047;
	s25 =	sadd.s32 $0x400, s7;
	[dreg:$0x15] =	wrdreg s1  }
0x7: {  	s6 =	ssub.s32 $0x2, s3;
	s26 =	sadd.s32 $0xC00, s7;
	[dreg:$0x3] =	wrdreg s25  }
0x8: {  	s3 =	sadd.s32 $0xD400, s0;
	s29 =	sadd.s32 $0x1400, s7;
	[dreg:$0x4] =	wrdreg s26  }
0x9: {  	s24 =	sshrl.u32 s6, $0x1;
	s30 =	sadd.s32 $0x1C00, s7;
	[dreg:$0x5] =	wrdreg s29  }
0xa: {  	s0 =	ssub.s32 s6, s24;
	s6 =	sadd.s32 $0x2400, s7;
	[dreg:$0x6] =	wrdreg s30  }
0xb: {  	s8 =	sadd.s32 $0x2C00, s7;
	[dreg:$0x7] =	wrdreg s6  }
0xc: {  	s9 =	sadd.s32 $0x3400, s7;
	[dreg:$0x8] =	wrdreg s8  }
0xd: {  	s10 =	sadd.s32 $0x3C00, s7;
	[dreg:$0x9] =	wrdreg s9  }
0xe: {  	s11 =	sadd.s32 $0x4400, s7;
	[dreg:$0xa] =	wrdreg s10  }
0xf: {  	s12 =	sadd.s32 $0x4C00, s7;
	[dreg:$0xb] =	wrdreg s11  }
0x10: {  	s13 =	sadd.s32 $0x5400, s7;
	[dreg:$0xc] =	wrdreg s12  }
0x11: {  	s14 =	sadd.s32 $0x5C00, s7;
	[dreg:$0xd] =	wrdreg s13  }
0x12: {  	s15 =	sadd.s32 $0x6400, s7;
	[dreg:$0xe] =	wrdreg s14  }
0x13: {  	s16 =	sadd.s32 $0x6C00, s7;
	[dreg:$0xf] =	wrdreg s15  }
0x14: {  	s17 =	sadd.s32 $0x7400, s7;
	[dreg:$0x10] =	wrdreg s16  }
0x15: {  	s18 =	sadd.s32 $0x7C00, s7;
	[dreg:$0x11] =	wrdreg s17  }
0x16: {  	s19 =	sadd.s32 $0x8400, s7;
	[dreg:$0x12] =	wrdreg s18  }
0x17: {  	s20 =	sadd.s32 $0x8C00, s7;
	[dreg:$0x13] =	wrdreg s19  }
0x18: {  	s31 =	simm.s32 $0xA00;
	s21 =	sadd.s32 $0x9400, s7;
	[dreg:$0x14] =	wrdreg s20  }
0x19: {  	s28 =	simm.s32 $0x3200;
	s22 =	sadd.s32 $0x9C00, s7;
	[dreg:$0x16] =	wrdreg s21  }
0x1a: {  	s5 =	simm.s32 $0x3000;
	s23 =	sadd.s32 $0xA400, s7;
	[dreg:$0x17] =	wrdreg s22  }
0x1b: {  	s24 =	sadd.s32 $0xAC00, s7;
	s0 =	smax.u32 s0, $0x1;
	[dreg:$0x18] =	wrdreg s23  }
0x1c: {  	s1 =	simm.s32 $0x200;
	[dreg:$0x19] =	wrdreg s24;
	s25 =	sadd.s32 $0xB400, s7  }
0x1d: {  	s26 =	sadd.s32 $0xBC00, s7;
	s29 =	sadd.s32 $0xC400, s7;
	s30 =	sadd.s32 $0xCC00, s7  }
0x1e: {  	[dreg:$0x1e] =	wrdreg s0;
	s6 =	simm.s32 $0x1;
	s7 =	simm.s32 $0x0  }
0x1f: {  	s10 =	simm.s32 $0xC00;
	s11 =	simm.s32 $0x1000;
	s12 =	simm.s32 $0x1200  }
0x20: {  	s13 =	simm.s32 $0x1400;
	s14 =	simm.s32 $0x1600;
	s15 =	simm.s32 $0x1800  }
0x21: {  	s16 =	simm.s32 $0x1A00;
	s17 =	simm.s32 $0x1C00;
	s18 =	simm.s32 $0x1E00  }
0x22: {  	s19 =	simm.s32 $0x2000;
	s20 =	simm.s32 $0x2200;
	[dreg:$0x1a] =	wrdreg s25  }
0x23: {  	s21 =	simm.s32 $0x2400;
	s22 =	simm.s32 $0x2600;
	[dreg:$0x1b] =	wrdreg s26  }
0x24: {  	s23 =	simm.s32 $0x2800;
	s24 =	simm.s32 $0x2A00;
	[dreg:$0x1c] =	wrdreg s29  }
0x25: {  	[dreg:$0x1d] =	wrdreg s30;
	s26 =	simm.s32 $0x2;
	s25 =	simm.s32 $0x2E00  }
.LBB2_1:
0x26: {  	s8 =	rddreg [dreg:$0x3]  }
0x27: {  	[tilespmem:s2], [sflag:$0x2] =	stream.linear.gather [hbm4b:s8+s2], $0x200, $0x38;
	[tilespmem:$0x6A00] =	vst v63  }
0x28: {  	s9 =	rddreg [dreg:$0x4]  }
0x29: {  	[tilespmem:s1], [sflag:$0x2] =	stream.linear.gather [hbm4b:s9+s2], $0x200, $0x38;
	[tilespmem:$0x6A00] =	vst v63  }
0x2a: {  	s0 =	rddreg [dreg:$0x5];
	s9 =	simm.s32 $0x400  }
0x2b: {  	[tilespmem:s9], [sflag:$0x2] =	stream.linear.gather [hbm4b:s0+s2], $0x200, $0x38;
	[tilespmem:$0x6A00] =	vst v63  }
0x2c: {  	s4 =	rddreg [dreg:$0x6];
	s29 =	simm.s32 $0x600  }
0x2d: {  	[tilespmem:s29], [sflag:$0x2] =	stream.linear.gather [hbm4b:s4+s2], $0x200, $0x38;
	[tilespmem:$0x6A00] =	vst v63  }
0x2e: {  	s30 =	simm.s32 $0x800;
	s0 =	rddreg [dreg:$0x7]  }
0x2f: {  	[tilespmem:s30], [sflag:$0x2] =	stream.linear.gather [hbm4b:s0+s2], $0x200, $0x38;
	[tilespmem:$0x6A00] =	vst v63  }
0x30: {  	s4 =	rddreg [dreg:$0x8]  }
0x31: {  	[tilespmem:s31], [sflag:$0x2] =	stream.linear.gather [hbm4b:s4+s2], $0x200, $0x38;
	[tilespmem:$0x6A00] =	vst v63  }
0x32: {  	s0 =	rddreg [dreg:$0x9]  }
0x33: {  	[tilespmem:s10], [sflag:$0x2] =	stream.linear.gather [hbm4b:s0+s2], $0x200, $0x38;
	[tilespmem:$0x6A00] =	vst v63  }
0x34: {  	s4 =	rddreg [dreg:$0xa];
	s0 =	simm.s32 $0xE00  }
0x35: {  	[tilespmem:s0], [sflag:$0x2] =	stream.linear.gather [hbm4b:s4+s2], $0x200, $0x38;
	[tilespmem:$0x6A00] =	vst v63  }
0x36: {  	s4 =	rddreg [dreg:$0xb]  }
0x37: {  	[tilespmem:s11], [sflag:$0x2] =	stream.linear.gather [hbm4b:s4+s2], $0x200, $0x38;
	[tilespmem:$0x6A00] =	vst v63  }
0x38: {  	s4 =	rddreg [dreg:$0xc]  }
0x39: {  	[tilespmem:s12], [sflag:$0x2] =	stream.linear.gather [hbm4b:s4+s2], $0x200, $0x38;
	[tilespmem:$0x6A00] =	vst v63  }
0x3a: {  	s4 =	rddreg [dreg:$0xd]  }
0x3b: {  	[tilespmem:s13], [sflag:$0x2] =	stream.linear.gather [hbm4b:s4+s2], $0x200, $0x38;
	[tilespmem:$0x6A00] =	vst v63  }
0x3c: {  	s4 =	rddreg [dreg:$0xe]  }
0x3d: {  	[tilespmem:s14], [sflag:$0x2] =	stream.linear.gather [hbm4b:s4+s2], $0x200, $0x38;
	[tilespmem:$0x6A00] =	vst v63  }
0x3e: {  	s4 =	rddreg [dreg:$0xf]  }
0x3f: {  	[tilespmem:s15], [sflag:$0x2] =	stream.linear.gather [hbm4b:s4+s2], $0x200, $0x38;
	[tilespmem:$0x6A00] =	vst v63  }
0x40: {  	s4 =	rddreg [dreg:$0x10]  }
0x41: {  	[tilespmem:s16], [sflag:$0x2] =	stream.linear.gather [hbm4b:s4+s2], $0x200, $0x38;
	[tilespmem:$0x6A00] =	vst v63  }
0x42: {  	s4 =	rddreg [dreg:$0x11]  }
0x43: {  	[tilespmem:s17], [sflag:$0x2] =	stream.linear.gather [hbm4b:s4+s2], $0x200, $0x38;
	[tilespmem:$0x6A00] =	vst v63  }
0x44: {  	s4 =	rddreg [dreg:$0x12]  }
0x45: {  	[tilespmem:s18], [sflag:$0x2] =	stream.linear.gather [hbm4b:s4+s2], $0x200, $0x38;
	[tilespmem:$0x6A00] =	vst v63  }
0x46: {  	s4 =	rddreg [dreg:$0x13]  }
0x47: {  	[tilespmem:s19], [sflag:$0x2] =	stream.linear.gather [hbm4b:s4+s2], $0x200, $0x38;
	[tilespmem:$0x6A00] =	vst v63  }
0x48: {  	s4 =	rddreg [dreg:$0x14]  }
0x49: {  	[tilespmem:s20], [sflag:$0x2] =	stream.linear.gather [hbm4b:s4+s2], $0x200, $0x38;
	[tilespmem:$0x6A00] =	vst v63  }
0x4a: {  	s4 =	rddreg [dreg:$0x16]  }
0x4b: {  	[tilespmem:s21], [sflag:$0x2] =	stream.linear.gather [hbm4b:s4+s2], $0x200, $0x38;
	[tilespmem:$0x6A00] =	vst v63  }
0x4c: {  	s4 =	rddreg [dreg:$0x17]  }
0x4d: {  	[tilespmem:s22], [sflag:$0x2] =	stream.linear.gather [hbm4b:s4+s2], $0x200, $0x38;
	[tilespmem:$0x6A00] =	vst v63  }
0x4e: {  	s4 =	rddreg [dreg:$0x18]  }
0x4f: {  	[tilespmem:s23], [sflag:$0x2] =	stream.linear.gather [hbm4b:s4+s2], $0x200, $0x38;
	[tilespmem:$0x6A00] =	vst v63  }
0x50: {  	s4 =	rddreg [dreg:$0x19]  }
0x51: {  	[tilespmem:s24], [sflag:$0x2] =	stream.linear.gather [hbm4b:s4+s2], $0x200, $0x38;
	[tilespmem:$0x6A00] =	vst v63  }
0x52: {  	s8 =	rddreg [dreg:$0x1a];
	s4 =	simm.s32 $0x2C00  }
0x53: {  	[tilespmem:s4], [sflag:$0x2] =	stream.linear.gather [hbm4b:s8+s2], $0x200, $0x38;
	[tilespmem:$0x6A00] =	vst v63  }
0x54: {  	s8 =	rddreg [dreg:$0x1b]  }
0x55: {  	[tilespmem:s25], [sflag:$0x2] =	stream.linear.gather [hbm4b:s8+s2], $0x200, $0x38;
	[tilespmem:$0x6A00] =	vst v63  }
0x56: {  	s8 =	rddreg [dreg:$0x1c]  }
0x57: {  	[tilespmem:s5], [sflag:$0x2] =	stream.linear.gather [hbm4b:s8+s2], $0x200, $0x38;
	[tilespmem:$0x6A00] =	vst v63  }
0x58: {  	s8 =	rddreg [dreg:$0x1d]  }
0x59: {  	[tilespmem:s28], [sflag:$0x2] =	stream.linear.gather [hbm4b:s8+s2], $0x200, $0x38;
	[tilespmem:$0x6A00] =	vst v63  }
0x5a: {  	_ =	swait.ge [sflag:s26], $0x200  }
0x5b: {  	[sflag:s26] =	ssyncset.done $0x0  }
0x5c: {  	s8 =	simm.s32 $0x3400;
	[sflag:s26] =	ssyncadd.s32 $0xFFFFFE00  }
0x5d: {  	[tilespmem:s8], [sflag:$0x1] =	stream.indirect.gather [hbm4b:s3+s1], $0x1, s2, s1, $0xb8;
	[tilespmem:$0x6A00] =	vst v63  }
0x5e: {  	_ =	swait.ge [sflag:s26], $0x200  }
0x5f: {  	[sflag:s26] =	ssyncset.done $0x0  }
0x60: {  	s8 =	simm.s32 $0x3600;
	[sflag:s26] =	ssyncadd.s32 $0xFFFFFE00  }
0x61: {  	[tilespmem:s8], [sflag:$0x1] =	stream.indirect.gather [hbm4b:s3+s1], $0x1, s1, s1, $0xb8;
	[tilespmem:$0x6A00] =	vst v63  }
0x62: {  	_ =	swait.ge [sflag:s26], $0x200  }
0x63: {  	[sflag:s26] =	ssyncset.done $0x0  }
0x64: {  	s8 =	simm.s32 $0x3800;
	[sflag:s26] =	ssyncadd.s32 $0xFFFFFE00  }
0x65: {  	[tilespmem:s8], [sflag:$0x1] =	stream.indirect.gather [hbm4b:s3+s1], $0x1, s9, s1, $0xb8;
	[tilespmem:$0x6A00] =	vst v63  }
0x66: {  	_ =	swait.ge [sflag:s26], $0x200  }
0x67: {  	[sflag:s26] =	ssyncset.done $0x0  }
0x68: {  	s9 =	simm.s32 $0x3A00;
	[sflag:s26] =	ssyncadd.s32 $0xFFFFFE00  }
0x69: {  	[tilespmem:s9], [sflag:$0x1] =	stream.indirect.gather [hbm4b:s3+s1], $0x1, s29, s1, $0xb8;
	[tilespmem:$0x6A00] =	vst v63  }
0x6a: {  	_ =	swait.ge [sflag:s26], $0x200  }
0x6b: {  	[sflag:s26] =	ssyncset.done $0x0  }
0x6c: {  	s9 =	simm.s32 $0x3C00;
	[sflag:s26] =	ssyncadd.s32 $0xFFFFFE00  }
0x6d: {  	[tilespmem:s9], [sflag:$0x1] =	stream.indirect.gather [hbm4b:s3+s1], $0x1, s30, s1, $0xb8;
	[tilespmem:$0x6A00] =	vst v63  }
0x6e: {  	_ =	swait.ge [sflag:s26], $0x200  }
0x6f: {  	[sflag:s26] =	ssyncset.done $0x0  }
0x70: {  	s9 =	simm.s32 $0x3E00;
	[sflag:s26] =	ssyncadd.s32 $0xFFFFFE00  }
0x71: {  	[tilespmem:s9], [sflag:$0x1] =	stream.indirect.gather [hbm4b:s3+s1], $0x1, s31, s1, $0xb8;
	[tilespmem:$0x6A00] =	vst v63  }
0x72: {  	_ =	swait.ge [sflag:s26], $0x200  }
0x73: {  	[sflag:s26] =	ssyncset.done $0x0  }
0x74: {  	s9 =	simm.s32 $0x4000;
	[sflag:s26] =	ssyncadd.s32 $0xFFFFFE00  }
0x75: {  	[tilespmem:s9], [sflag:$0x1] =	stream.indirect.gather [hbm4b:s3+s1], $0x1, s10, s1, $0xb8;
	[tilespmem:$0x6A00] =	vst v63  }
0x76: {  	_ =	swait.ge [sflag:s26], $0x200  }
0x77: {  	[sflag:s26] =	ssyncset.done $0x0  }
0x78: {  	s9 =	simm.s32 $0x4200;
	[sflag:s26] =	ssyncadd.s32 $0xFFFFFE00  }
0x79: {  	[tilespmem:s9], [sflag:$0x1] =	stream.indirect.gather [hbm4b:s3+s1], $0x1, s0, s1, $0xb8;
	[tilespmem:$0x6A00] =	vst v63  }
0x7a: {  	_ =	swait.ge [sflag:s26], $0x200  }
0x7b: {  	[sflag:s26] =	ssyncset.done $0x0  }
0x7c: {  	s9 =	simm.s32 $0x4400;
	[sflag:s26] =	ssyncadd.s32 $0xFFFFFE00  }
0x7d: {  	[tilespmem:s9], [sflag:$0x1] =	stream.indirect.gather [hbm4b:s3+s1], $0x1, s11, s1, $0xb8;
	[tilespmem:$0x6A00] =	vst v63  }
0x7e: {  	_ =	swait.ge [sflag:s26], $0x200  }
0x7f: {  	[sflag:s26] =	ssyncset.done $0x0  }
0x80: {  	s8 =	simm.s32 $0x4600;
	[sflag:s26] =	ssyncadd.s32 $0xFFFFFE00  }
0x81: {  	[tilespmem:s8], [sflag:$0x1] =	stream.indirect.gather [hbm4b:s3+s1], $0x1, s12, s1, $0xb8;
	[tilespmem:$0x6A00] =	vst v63  }
0x82: {  	_ =	swait.ge [sflag:s26], $0x200  }
0x83: {  	[sflag:s26] =	ssyncset.done $0x0  }
0x84: {  	s9 =	simm.s32 $0x4800;
	[sflag:s26] =	ssyncadd.s32 $0xFFFFFE00  }
0x85: {  	[tilespmem:s9], [sflag:$0x1] =	stream.indirect.gather [hbm4b:s3+s1], $0x1, s13, s1, $0xb8;
	[tilespmem:$0x6A00] =	vst v63  }
0x86: {  	_ =	swait.ge [sflag:s26], $0x200  }
0x87: {  	[sflag:s26] =	ssyncset.done $0x0  }
0x88: {  	s8 =	simm.s32 $0x4A00;
	[sflag:s26] =	ssyncadd.s32 $0xFFFFFE00  }
0x89: {  	[tilespmem:s8], [sflag:$0x1] =	stream.indirect.gather [hbm4b:s3+s1], $0x1, s14, s1, $0xb8;
	[tilespmem:$0x6A00] =	vst v63  }
0x8a: {  	_ =	swait.ge [sflag:s26], $0x200  }
0x8b: {  	[sflag:s26] =	ssyncset.done $0x0  }
0x8c: {  	s9 =	simm.s32 $0x4C00;
	[sflag:s26] =	ssyncadd.s32 $0xFFFFFE00  }
0x8d: {  	[tilespmem:s9], [sflag:$0x1] =	stream.indirect.gather [hbm4b:s3+s1], $0x1, s15, s1, $0xb8;
	[tilespmem:$0x6A00] =	vst v63  }
0x8e: {  	_ =	swait.ge [sflag:s26], $0x200  }
0x8f: {  	[sflag:s26] =	ssyncset.done $0x0  }
0x90: {  	s8 =	simm.s32 $0x4E00;
	[sflag:s26] =	ssyncadd.s32 $0xFFFFFE00  }
0x91: {  	[tilespmem:s8], [sflag:$0x1] =	stream.indirect.gather [hbm4b:s3+s1], $0x1, s16, s1, $0xb8;
	[tilespmem:$0x6A00] =	vst v63  }
0x92: {  	_ =	swait.ge [sflag:s26], $0x200  }
0x93: {  	[sflag:s26] =	ssyncset.done $0x0  }
0x94: {  	s9 =	simm.s32 $0x5000;
	[sflag:s26] =	ssyncadd.s32 $0xFFFFFE00  }
0x95: {  	[tilespmem:s9], [sflag:$0x1] =	stream.indirect.gather [hbm4b:s3+s1], $0x1, s17, s1, $0xb8;
	[tilespmem:$0x6A00] =	vst v63  }
0x96: {  	_ =	swait.ge [sflag:s26], $0x200  }
0x97: {  	[sflag:s26] =	ssyncset.done $0x0  }
0x98: {  	s8 =	simm.s32 $0x5200;
	[sflag:s26] =	ssyncadd.s32 $0xFFFFFE00  }
0x99: {  	[tilespmem:s8], [sflag:$0x1] =	stream.indirect.gather [hbm4b:s3+s1], $0x1, s18, s1, $0xb8;
	[tilespmem:$0x6A00] =	vst v63  }
0x9a: {  	_ =	swait.ge [sflag:s26], $0x200  }
0x9b: {  	[sflag:s26] =	ssyncset.done $0x0  }
0x9c: {  	s9 =	simm.s32 $0x5400;
	[sflag:s26] =	ssyncadd.s32 $0xFFFFFE00  }
0x9d: {  	[tilespmem:s9], [sflag:$0x1] =	stream.indirect.gather [hbm4b:s3+s1], $0x1, s19, s1, $0xb8;
	[tilespmem:$0x6A00] =	vst v63  }
0x9e: {  	_ =	swait.ge [sflag:s26], $0x200  }
0x9f: {  	[sflag:s26] =	ssyncset.done $0x0  }
0xa0: {  	s8 =	simm.s32 $0x5600;
	[sflag:s26] =	ssyncadd.s32 $0xFFFFFE00  }
0xa1: {  	[tilespmem:s8], [sflag:$0x1] =	stream.indirect.gather [hbm4b:s3+s1], $0x1, s20, s1, $0xb8;
	[tilespmem:$0x6A00] =	vst v63  }
0xa2: {  	_ =	swait.ge [sflag:s26], $0x200  }
0xa3: {  	[sflag:s26] =	ssyncset.done $0x0  }
0xa4: {  	s9 =	simm.s32 $0x5800;
	[sflag:s26] =	ssyncadd.s32 $0xFFFFFE00  }
0xa5: {  	[tilespmem:s9], [sflag:$0x1] =	stream.indirect.gather [hbm4b:s3+s1], $0x1, s21, s1, $0xb8;
	[tilespmem:$0x6A00] =	vst v63  }
0xa6: {  	_ =	swait.ge [sflag:s26], $0x200  }
0xa7: {  	[sflag:s26] =	ssyncset.done $0x0  }
0xa8: {  	s8 =	simm.s32 $0x5A00;
	[sflag:s26] =	ssyncadd.s32 $0xFFFFFE00  }
0xa9: {  	[tilespmem:s8], [sflag:$0x1] =	stream.indirect.gather [hbm4b:s3+s1], $0x1, s22, s1, $0xb8;
	[tilespmem:$0x6A00] =	vst v63  }
0xaa: {  	_ =	swait.ge [sflag:s26], $0x200  }
0xab: {  	[sflag:s26] =	ssyncset.done $0x0  }
0xac: {  	s9 =	simm.s32 $0x5C00;
	[sflag:s26] =	ssyncadd.s32 $0xFFFFFE00  }
0xad: {  	[tilespmem:s9], [sflag:$0x1] =	stream.indirect.gather [hbm4b:s3+s1], $0x1, s23, s1, $0xb8;
	[tilespmem:$0x6A00] =	vst v63  }
0xae: {  	_ =	swait.ge [sflag:s26], $0x200  }
0xaf: {  	[sflag:s26] =	ssyncset.done $0x0  }
0xb0: {  	s8 =	simm.s32 $0x5E00;
	[sflag:s26] =	ssyncadd.s32 $0xFFFFFE00  }
0xb1: {  	[tilespmem:s8], [sflag:$0x1] =	stream.indirect.gather [hbm4b:s3+s1], $0x1, s24, s1, $0xb8;
	[tilespmem:$0x6A00] =	vst v63  }
0xb2: {  	_ =	swait.ge [sflag:s26], $0x200  }
0xb3: {  	[sflag:s26] =	ssyncset.done $0x0  }
0xb4: {  	s9 =	simm.s32 $0x6000;
	[sflag:s26] =	ssyncadd.s32 $0xFFFFFE00  }
0xb5: {  	[tilespmem:s9], [sflag:$0x1] =	stream.indirect.gather [hbm4b:s3+s1], $0x1, s4, s1, $0xb8;
	[tilespmem:$0x6A00] =	vst v63  }
0xb6: {  	_ =	swait.ge [sflag:s26], $0x200  }
0xb7: {  	[sflag:s26] =	ssyncset.done $0x0  }
0xb8: {  	s4 =	simm.s32 $0x6200;
	[sflag:s26] =	ssyncadd.s32 $0xFFFFFE00  }
0xb9: {  	[tilespmem:s4], [sflag:$0x1] =	stream.indirect.gather [hbm4b:s3+s1], $0x1, s25, s1, $0xb8;
	[tilespmem:$0x6A00] =	vst v63  }
0xba: {  	_ =	swait.ge [sflag:s26], $0x200  }
0xbb: {  	[sflag:s26] =	ssyncset.done $0x0  }
0xbc: {  	s8 =	simm.s32 $0x6400;
	[sflag:s26] =	ssyncadd.s32 $0xFFFFFE00  }
0xbd: {  	[tilespmem:s8], [sflag:$0x1] =	stream.indirect.gather [hbm4b:s3+s1], $0x1, s5, s1, $0xb8;
	[tilespmem:$0x6A00] =	vst v63  }
0xbe: {  	_ =	swait.ge [sflag:s26], $0x200  }
0xbf: {  	[sflag:s26] =	ssyncset.done $0x0  }
0xc0: {  	s9 =	simm.s32 $0x6600;
	[sflag:s26] =	ssyncadd.s32 $0xFFFFFE00  }
0xc1: {  	[tilespmem:s9], [sflag:$0x1] =	stream.indirect.gather [hbm4b:s3+s1], $0x1, s28, s1, $0xb8;
	[tilespmem:$0x6A00] =	vst v63  }
0xc2: {  	_ =	swait.ge [sflag:s6], $0x200  }
0xc3: {  	[sflag:s6] =	ssyncset.done $0x0  }
0xc4: {  	[sflag:s6] =	ssyncadd.s32 $0xFFFFFE00  }
0xc5: {  	_ =	swait.ge [sflag:s6], $0x200  }
0xc6: {  	[sflag:s6] =	ssyncset.done $0x0  }
0xc7: {  	[sflag:s6] =	ssyncadd.s32 $0xFFFFFE00  }
0xc8: {  	_ =	swait.ge [sflag:s6], $0x200  }
0xc9: {  	[sflag:s6] =	ssyncset.done $0x0  }
0xca: {  	[sflag:s6] =	ssyncadd.s32 $0xFFFFFE00  }
0xcb: {  	_ =	swait.ge [sflag:s6], $0x200  }
0xcc: {  	[sflag:s6] =	ssyncset.done $0x0  }
0xcd: {  	[sflag:s6] =	ssyncadd.s32 $0xFFFFFE00  }
0xce: {  	_ =	swait.ge [sflag:s6], $0x200  }
0xcf: {  	[sflag:s6] =	ssyncset.done $0x0  }
0xd0: {  	[sflag:s6] =	ssyncadd.s32 $0xFFFFFE00  }
0xd1: {  	_ =	swait.ge [sflag:s6], $0x200  }
0xd2: {  	[sflag:s6] =	ssyncset.done $0x0  }
0xd3: {  	[sflag:s6] =	ssyncadd.s32 $0xFFFFFE00  }
0xd4: {  	_ =	swait.ge [sflag:s6], $0x200  }
0xd5: {  	[sflag:s6] =	ssyncset.done $0x0  }
0xd6: {  	[sflag:s6] =	ssyncadd.s32 $0xFFFFFE00  }
0xd7: {  	_ =	swait.ge [sflag:s6], $0x200  }
0xd8: {  	[sflag:s6] =	ssyncset.done $0x0  }
0xd9: {  	[sflag:s6] =	ssyncadd.s32 $0xFFFFFE00  }
0xda: {  	_ =	swait.ge [sflag:s6], $0x200  }
0xdb: {  	[sflag:s6] =	ssyncset.done $0x0  }
0xdc: {  	[sflag:s6] =	ssyncadd.s32 $0xFFFFFE00  }
0xdd: {  	_ =	swait.ge [sflag:s6], $0x200  }
0xde: {  	[sflag:s6] =	ssyncset.done $0x0  }
0xdf: {  	[sflag:s6] =	ssyncadd.s32 $0xFFFFFE00  }
0xe0: {  	_ =	swait.ge [sflag:s6], $0x200  }
0xe1: {  	[sflag:s6] =	ssyncset.done $0x0  }
0xe2: {  	[sflag:s6] =	ssyncadd.s32 $0xFFFFFE00  }
0xe3: {  	_ =	swait.ge [sflag:s6], $0x200  }
0xe4: {  	[sflag:s6] =	ssyncset.done $0x0  }
0xe5: {  	[sflag:s6] =	ssyncadd.s32 $0xFFFFFE00  }
0xe6: {  	_ =	swait.ge [sflag:s6], $0x200  }
0xe7: {  	[sflag:s6] =	ssyncset.done $0x0  }
0xe8: {  	[sflag:s6] =	ssyncadd.s32 $0xFFFFFE00  }
0xe9: {  	_ =	swait.ge [sflag:s6], $0x200  }
0xea: {  	[sflag:s6] =	ssyncset.done $0x0  }
0xeb: {  	[sflag:s6] =	ssyncadd.s32 $0xFFFFFE00  }
0xec: {  	_ =	swait.ge [sflag:s6], $0x200  }
0xed: {  	[sflag:s6] =	ssyncset.done $0x0  }
0xee: {  	[sflag:s6] =	ssyncadd.s32 $0xFFFFFE00  }
0xef: {  	_ =	swait.ge [sflag:s6], $0x200  }
0xf0: {  	[sflag:s6] =	ssyncset.done $0x0  }
0xf1: {  	[sflag:s6] =	ssyncadd.s32 $0xFFFFFE00  }
0xf2: {  	_ =	swait.ge [sflag:s6], $0x200  }
0xf3: {  	[sflag:s6] =	ssyncset.done $0x0  }
0xf4: {  	[sflag:s6] =	ssyncadd.s32 $0xFFFFFE00  }
0xf5: {  	_ =	swait.ge [sflag:s6], $0x200  }
0xf6: {  	[sflag:s6] =	ssyncset.done $0x0  }
0xf7: {  	[sflag:s6] =	ssyncadd.s32 $0xFFFFFE00  }
0xf8: {  	_ =	swait.ge [sflag:s6], $0x200  }
0xf9: {  	[sflag:s6] =	ssyncset.done $0x0  }
0xfa: {  	[sflag:s6] =	ssyncadd.s32 $0xFFFFFE00  }
0xfb: {  	_ =	swait.ge [sflag:s6], $0x200  }
0xfc: {  	[sflag:s6] =	ssyncset.done $0x0  }
0xfd: {  	[sflag:s6] =	ssyncadd.s32 $0xFFFFFE00  }
0xfe: {  	_ =	swait.ge [sflag:s6], $0x200  }
0xff: {  	[sflag:s6] =	ssyncset.done $0x0  }
0x100: {  	[sflag:s6] =	ssyncadd.s32 $0xFFFFFE00  }
0x101: {  	_ =	swait.ge [sflag:s6], $0x200  }
0x102: {  	[sflag:s6] =	ssyncset.done $0x0  }
0x103: {  	[sflag:s6] =	ssyncadd.s32 $0xFFFFFE00  }
0x104: {  	_ =	swait.ge [sflag:s6], $0x200  }
0x105: {  	[sflag:s6] =	ssyncset.done $0x0  }
0x106: {  	[sflag:s6] =	ssyncadd.s32 $0xFFFFFE00  }
0x107: {  	_ =	swait.ge [sflag:s6], $0x200  }
0x108: {  	[sflag:s6] =	ssyncset.done $0x0  }
0x109: {  	[sflag:s6] =	ssyncadd.s32 $0xFFFFFE00  }
0x10a: {  	_ =	swait.ge [sflag:s6], $0x200  }
0x10b: {  	[sflag:s6] =	ssyncset.done $0x0  }
0x10c: {  	[sflag:s6] =	ssyncadd.s32 $0xFFFFFE00  }
0x10d: {  	_ =	swait.ge [sflag:s6], $0x200  }
0x10e: {  	[sflag:s6] =	ssyncset.done $0x0  }
0x10f: {  	s8 =	simm.s32 $0x0;
	[sflag:s6] =	ssyncadd.s32 $0xFFFFFE00  }
0x110: {  	v0 =	vld [tilespmem:s8+$0x3400]  }
0x111: {  	v1 =	vld [tilespmem:s8+$0x3600];
	_ =	sdelay $0x1  }
0x112: {  	v2 =	vld [tilespmem:s8+$0x3800];
	_ =	sdelay $0x1  }
0x113: {  	v3 =	vld [tilespmem:s8+$0x3A00]  }
0x114: {  	v0 =	vadd.f32 v1, v0  }
0x115: {  	v1 =	vld [tilespmem:s8+$0x3C00]  }
0x116: {  	v0 =	vadd.f32 v2, v0  }
0x117: {  	v2 =	vld [tilespmem:s8+$0x3E00]  }
0x118: {  	v0 =	vadd.f32 v3, v0  }
0x119: {  	v3 =	vld [tilespmem:s8+$0x4000]  }
0x11a: {  	v0 =	vadd.f32 v1, v0  }
0x11b: {  	v1 =	vld [tilespmem:s8+$0x4200]  }
0x11c: {  	v0 =	vadd.f32 v2, v0  }
0x11d: {  	v2 =	vld [tilespmem:s8+$0x4400]  }
0x11e: {  	v0 =	vadd.f32 v3, v0  }
0x11f: {  	v3 =	vld [tilespmem:s8+$0x4600]  }
0x120: {  	v0 =	vadd.f32 v1, v0  }
0x121: {  	v1 =	vld [tilespmem:s8+$0x4800]  }
0x122: {  	v0 =	vadd.f32 v2, v0  }
0x123: {  	v2 =	vld [tilespmem:s8+$0x4A00]  }
0x124: {  	v0 =	vadd.f32 v3, v0  }
0x125: {  	v3 =	vld [tilespmem:s8+$0x4C00]  }
0x126: {  	s29 =	simm.s32 $0x10;
	v4 =	vld [tilespmem:s8+$0x4E00];
	v0 =	vadd.f32 v1, v0  }
0x127: {  	v5 =	vld [tilespmem:s29+$0x3400]  }
0x128: {  	v1 =	vld [tilespmem:s8+$0x5000];
	v0 =	vadd.f32 v2, v0  }
0x129: {  	v2 =	vld [tilespmem:s29+$0x3600]  }
0x12a: {  	v6 =	vld [tilespmem:s29+$0x3800];
	v0 =	vadd.f32 v3, v0  }
0x12b: {  	v3 =	vld [tilespmem:s8+$0x5200]  }
0x12c: {  	v7 =	vld [tilespmem:s29+$0x3A00];
	v0 =	vadd.f32 v4, v0  }
0x12d: {  	v4 =	vld [tilespmem:s8+$0x5400]  }
0x12e: {  	v2 =	vadd.f32 v2, v5;
	v5 =	vld [tilespmem:s29+$0x3C00];
	v0 =	vadd.f32 v1, v0  }
0x12f: {  	v1 =	vld [tilespmem:s8+$0x5600]  }
0x130: {  	v2 =	vadd.f32 v6, v2;
	v6 =	vld [tilespmem:s29+$0x3E00];
	v0 =	vadd.f32 v3, v0  }
0x131: {  	v3 =	vld [tilespmem:s8+$0x5800]  }
0x132: {  	v2 =	vadd.f32 v7, v2;
	v7 =	vld [tilespmem:s29+$0x4000];
	v0 =	vadd.f32 v4, v0  }
0x133: {  	v4 =	vld [tilespmem:s8+$0x5A00]  }
0x134: {  	v2 =	vadd.f32 v5, v2;
	v5 =	vld [tilespmem:s29+$0x4200];
	v0 =	vadd.f32 v1, v0  }
0x135: {  	v1 =	vld [tilespmem:s8+$0x5C00]  }
0x136: {  	v2 =	vadd.f32 v6, v2;
	v6 =	vld [tilespmem:s29+$0x4400];
	v0 =	vadd.f32 v3, v0  }
0x137: {  	v3 =	vld [tilespmem:s8+$0x5E00]  }
0x138: {  	v2 =	vadd.f32 v7, v2;
	v7 =	vld [tilespmem:s29+$0x4600];
	v0 =	vadd.f32 v4, v0  }
0x139: {  	v4 =	vld [tilespmem:s8+$0x6000]  }
0x13a: {  	v2 =	vadd.f32 v5, v2;
	v5 =	vld [tilespmem:s29+$0x4800];
	v0 =	vadd.f32 v1, v0  }
0x13b: {  	v1 =	vld [tilespmem:s8+$0x6200]  }
0x13c: {  	v8 =	vld [tilespmem:s29+$0x4A00];
	v2 =	vadd.f32 v6, v2;
	v0 =	vadd.f32 v3, v0  }
0x13d: {  	v6 =	vld [tilespmem:s8+$0x6400]  }
0x13e: {  	v3 =	vld [tilespmem:s29+$0x4C00];
	v7 =	vadd.f32 v7, v2;
	v4 =	vadd.f32 v4, v0  }
0x13f: {  	v2 =	vld [tilespmem:s8+$0x6600]  }
0x140: {  	v0 =	vld [tilespmem:s29+$0x5000];
	v5 =	vadd.f32 v5, v7;
	v7 =	vadd.f32 v1, v4  }
0x141: {  	s30 =	simm.s32 $0x20;
	v4 =	vld [tilespmem:s29+$0x4E00]  }
0x142: {  	s9 =	simm.s32 $0xC0;
	v1 =	vld [tilespmem:s30+$0x3400];
	v5 =	vadd.f32 v8, v5;
	v6 =	vadd.f32 v6, v7  }
.LBB2_2:
0x143: {  	p0 =	sne.s32 s9, $0x7C0;
	v7 =	vld [tilespmem:s30+$0x3600]  }
0x144: {  	v3 =	vadd.f32 v3, v5;
	v5 =	vld [tilespmem:s29+$0x5200];
	v2 =	vadd.f32 v2, v6  }
0x145: {  	v6 =	vld [tilespmem:s30+$0x3800]  }
0x146: {  	v3 =	vadd.f32 v4, v3;
	v4 =	vld [tilespmem:s29+$0x5400];
	[tilespmem:s8+$0x6800] =	vst v2;
	s8 =	smov.u32 s29;
	s29 =	smov.u32 s30  }
0x147: {  	v2 =	vld [tilespmem:s29+$0x3A00]  }
0x148: {  	v1 =	vadd.f32 v7, v1;
	v0 =	vadd.f32 v0, v3;
	v3 =	vld [tilespmem:s8+$0x5600]  }
0x149: {  	v7 =	vld [tilespmem:s29+$0x3C00]  }
0x14a: {  	v1 =	vadd.f32 v6, v1;
	v0 =	vadd.f32 v5, v0;
	v5 =	vld [tilespmem:s8+$0x5800]  }
0x14b: {  	v6 =	vld [tilespmem:s29+$0x3E00]  }
0x14c: {  	v1 =	vadd.f32 v2, v1;
	v0 =	vadd.f32 v4, v0;
	v2 =	vld [tilespmem:s8+$0x5A00]  }
0x14d: {  	v4 =	vld [tilespmem:s29+$0x4000]  }
0x14e: {  	v1 =	vadd.f32 v7, v1;
	v0 =	vadd.f32 v3, v0;
	v3 =	vld [tilespmem:s8+$0x5C00]  }
0x14f: {  	v7 =	vld [tilespmem:s29+$0x4200]  }
0x150: {  	v1 =	vadd.f32 v6, v1;
	v0 =	vadd.f32 v5, v0;
	v5 =	vld [tilespmem:s8+$0x5E00]  }
0x151: {  	v6 =	vld [tilespmem:s29+$0x4400]  }
0x152: {  	v1 =	vadd.f32 v4, v1;
	v0 =	vadd.f32 v2, v0;
	v2 =	vld [tilespmem:s8+$0x6000]  }
0x153: {  	v4 =	vld [tilespmem:s29+$0x4600]  }
0x154: {  	v1 =	vadd.f32 v7, v1;
	v0 =	vadd.f32 v3, v0;
	v7 =	vld [tilespmem:s8+$0x6200]  }
0x155: {  	v8 =	vld [tilespmem:s29+$0x4800]  }
0x156: {  	v1 =	vadd.f32 v6, v1;
	v0 =	vadd.f32 v5, v0;
	v6 =	vld [tilespmem:s8+$0x6400]  }
0x157: {  	v5 =	vld [tilespmem:s29+$0x4A00]  }
.Ltmp0:
0x158: {  	v1 =	vadd.f32 v4, v1;
	v4 =	vadd.f32 v2, v0;
	v2 =	vld [tilespmem:s8+$0x6600];
	(pc) =	sbr.rel @p0 .LBB2_2-.Ltmp0, $4  }
0x159: {  	v3 =	vld [tilespmem:s29+$0x4C00]  }
0x15a: {  	v8 =	vadd.f32 v8, v1;
	v0 =	vld [tilespmem:s29+$0x5000];
	v7 =	vadd.f32 v7, v4  }
0x15b: {  	s30 =	sshra.s32 s9, $0x2;
	v4 =	vld [tilespmem:s29+$0x4E00]  }
0x15c: {  	s9 =	sadd.s32 $0x40, s9;
	v1 =	vld [tilespmem:s30+$0x3400];
	v5 =	vadd.f32 v5, v8;
	v6 =	vadd.f32 v6, v7  }
0x15d: {  	v7 =	vld [tilespmem:s30+$0x3600]  }
0x15e: {  	v8 =	vld [tilespmem:s29+$0x5200];
	v2 =	vadd.f32 v2, v6  }
0x15f: {  	v31 =	vld [tilespmem:s30+$0x3800]  }
0x160: {  	v9 =	vld [tilespmem:s29+$0x5400];
	v3 =	vadd.f32 v3, v5;
	[tilespmem:s8+$0x6800] =	vst v2  }
0x161: {  	v2 =	vld [tilespmem:s30+$0x3A00]  }
0x162: {  	v3 =	vadd.f32 v4, v3;
	v1 =	vadd.f32 v7, v1  }
0x163: {  	v32 =	vld [tilespmem:s30+$0x3C00]  }
0x164: {  	v33 =	vld [tilespmem:s29+$0x5600];
	v0 =	vadd.f32 v0, v3;
	v1 =	vadd.f32 v31, v1  }
0x165: {  	v34 =	vld [tilespmem:s30+$0x3E00]  }
0x166: {  	v35 =	vld [tilespmem:s29+$0x5800];
	v0 =	vadd.f32 v8, v0;
	v1 =	vadd.f32 v2, v1  }
0x167: {  	v36 =	vld [tilespmem:s30+$0x4000]  }
0x168: {  	v37 =	vld [tilespmem:s29+$0x5A00];
	v0 =	vadd.f32 v9, v0;
	v1 =	vadd.f32 v32, v1  }
0x169: {  	v38 =	vld [tilespmem:s30+$0x4200]  }
0x16a: {  	v39 =	vld [tilespmem:s29+$0x5C00];
	v0 =	vadd.f32 v33, v0;
	v1 =	vadd.f32 v34, v1  }
0x16b: {  	v40 =	vld [tilespmem:s30+$0x4400]  }
0x16c: {  	v41 =	vld [tilespmem:s29+$0x5E00];
	v0 =	vadd.f32 v35, v0;
	v1 =	vadd.f32 v36, v1  }
0x16d: {  	v42 =	vld [tilespmem:s30+$0x4600]  }
0x16e: {  	v43 =	vld [tilespmem:s29+$0x6000];
	v0 =	vadd.f32 v37, v0;
	v1 =	vadd.f32 v38, v1  }
0x16f: {  	v44 =	vld [tilespmem:s30+$0x4800]  }
0x170: {  	v45 =	vld [tilespmem:s29+$0x6200];
	v0 =	vadd.f32 v39, v0;
	v1 =	vadd.f32 v40, v1  }
0x171: {  	v46 =	vld [tilespmem:s30+$0x4A00]  }
0x172: {  	v47 =	vld [tilespmem:s29+$0x6400];
	v0 =	vadd.f32 v41, v0;
	v1 =	vadd.f32 v42, v1  }
0x173: {  	v48 =	vld [tilespmem:s30+$0x4C00]  }
0x174: {  	v49 =	vld [tilespmem:s29+$0x6600];
	v0 =	vadd.f32 v43, v0;
	v1 =	vadd.f32 v44, v1  }
0x175: {  	v50 =	vld [tilespmem:s30+$0x4E00]  }
0x176: {  	v0 =	vadd.f32 v45, v0;
	v1 =	vadd.f32 v46, v1  }
0x177: {  	v51 =	vld [tilespmem:s30+$0x5000]  }
0x178: {  	v0 =	vadd.f32 v47, v0;
	v1 =	vadd.f32 v48, v1  }
0x179: {  	v52 =	vld [tilespmem:s30+$0x5200]  }
0x17a: {  	v0 =	vadd.f32 v49, v0;
	v1 =	vadd.f32 v50, v1  }
0x17b: {  	v53 =	vld [tilespmem:s30+$0x5400]  }
0x17c: {  	[tilespmem:s29+$0x6800] =	vst v0;
	v54 =	vadd.f32 v51, v1  }
0x17d: {  	v55 =	vld [tilespmem:s30+$0x5600]  }
0x17e: {  	v0 =	vadd.f32 v52, v54  }
0x17f: {  	v56 =	vld [tilespmem:s30+$0x5800]  }
0x180: {  	v0 =	vadd.f32 v53, v0  }
0x181: {  	v57 =	vld [tilespmem:s30+$0x5A00]  }
0x182: {  	v0 =	vadd.f32 v55, v0  }
0x183: {  	v58 =	vld [tilespmem:s30+$0x5C00]  }
0x184: {  	v0 =	vadd.f32 v56, v0  }
0x185: {  	v59 =	vld [tilespmem:s30+$0x5E00]  }
0x186: {  	v0 =	vadd.f32 v57, v0  }
0x187: {  	v60 =	vld [tilespmem:s30+$0x6000]  }
0x188: {  	v0 =	vadd.f32 v58, v0  }
0x189: {  	v61 =	vld [tilespmem:s30+$0x6200]  }
0x18a: {  	v0 =	vadd.f32 v59, v0  }
0x18b: {  	v62 =	vld [tilespmem:s30+$0x6400]  }
0x18c: {  	v0 =	vadd.f32 v60, v0  }
0x18d: {  	v63 =	vld [tilespmem:s30+$0x6600]  }
0x18e: {  	v0 =	vadd.f32 v61, v0;
	_ =	sdelay $0x1  }
0x18f: {  	v0 =	vadd.f32 v62, v0;
	_ =	sdelay $0x1  }
0x190: {  	v0 =	vadd.f32 v63, v0;
	_ =	sdelay $0x1  }
0x191: {  	s0 =	simm.s32 $0x6800;
	s4 =	simm.s32 $0x3;
	s29 =	rddreg [dreg:$0x15];
	[tilespmem:s30+$0x6800] =	vst v0  }
0x192: {  	[hbm4b:s29+s2] =	stream.linear.scatter [tilespmem:s0], [sflag:$0x3], $0x200, $0x38;
	[tilespmem:$0x6A00] =	vst v63  }
0x193: {  	_ =	swait.ge [sflag:s4], $0x200  }
0x194: {  	s7 =	sadd.s32 $0x1, s7;
	s30 =	rddreg [dreg:$0x1e]  }
0x195: {  	p0 =	sne.s32 s7, s30  }
.Ltmp1:
0x196: {  	_ = 	snop;
	(pc) =	sbr.rel @p0 .LBB2_1-.Ltmp1, $3  }
0x197: {  	_ =	sdelay $0x1  }
0x198: {  	[sflag:s4] =	ssyncset.done $0x0  }
0x199: {  	[sflag:s4] =	ssyncadd.s32 $0xFFFFFE00  }
0x19a: {  	_ =	sfence.sel $0x180000  }
0x19b: {  	[bflag:$0x0] =	sbarrier.arrive $0xFFFF  }
0x19c: {  	_ =	strace $0x90000047  }
0x19d: {  	s0 =	stileid.u32;
	[bflag:$0x2] =	sbarrier.arrive $0xFFFF  }
0x19e: {  	p0 =	sne.s32 s0, $0x0;
	s0 =	rddreg [dreg:$0x2]  }
0x19f: {  	s0 =	sadd.s32 @!p0 $0x100000, s0  }
0x1a0: {  	[sflag:s0] =	ssyncadd.tile.s32 @!p0 $0x1;
	_ =	shalt  }
.Lfunc_end2:
_tile_overlayer_lowered:
.L_overlay_start_2:
0x1a1: {  	(tag) =	ssettag $0x2  }
0x1a2: {  	s0 =	rddreg [dreg:$0x0];
	s2 =	stileid.u32  }
0x1a3: {  	s1 =	rddreg [dreg:$0x1];
	p0 =	sne.s32 s2, $0x0  }
0x1a4: {  	s3 =	rddreg [dreg:$0x2];
	[bflag:$0x3] =	sbarrier.arrive $0xFFFF;
	s2 =	simm.s32 @!p0 $0x1C03  }
0x1a5: {  	[timem:s3], [sflag:s2] =	dma.local @!p0 [hbm:s0], s1  }
0x1a6: {  	s0 =	simm.s32 @!p0 $0x3  }
0x1a7: {  	_ =	swait.ge @!p0 [sflag:s0], s1  }
0x1a8: {  	s1 =	ssub.s32 @!p0 $0x0, s1;
	[sflag:s0] =	ssyncset.done @!p0 $0x0  }
0x1a9: {  	[sflag:s0] =	ssyncadd.s32 @!p0 s1  }
0x1aa: {  	[bflag:$0x3] =	sbarrier.arrive $0xFFFF  }
0x1ab: {  	_ =	shalt  }

</sc_bundles>
